<compile_context>
chip_gen: v7x
topology: tpu7x:2x2x1
jax: 0.10.2.dev20260603
libtpu: 0.0.44.dev20260713+nightly
codegen_flags: <defaults>
</compile_context>

<pallas_src>
import functools

import jax
import jax.numpy as jnp
from jax import lax
from jax.experimental import pallas as pl
from jax.experimental.pallas import tpu as pltpu
from jax.experimental.pallas import tpu_sc as plsc

_NC = 2
_NS = 16
_NW = _NC * _NS

_PAIR = 2

_RING = 4


@functools.lru_cache(maxsize=None)
def _build_gather(batch: int, hist: int, vocab: int, d: int):
    chunk = _PAIR * hist
    per_w = batch // (_NW * _PAIR)
    n_groups = per_w // _RING
    half = n_groups // 2
    assert per_w == _RING * n_groups and n_groups == 2 * half

    mesh = plsc.VectorSubcoreMesh(core_axis_name="c", subcore_axis_name="s")
    n_sem = 2 * _RING

    @functools.partial(
        pl.kernel,
        mesh=mesh,
        out_type=jax.ShapeDtypeStruct((batch, hist, d), jnp.float32),
        scratch_types=[
            pltpu.VMEM((per_w, chunk), jnp.int32),
            pltpu.VMEM((n_sem, chunk, d), jnp.float32),
        ]
        + [pltpu.SemaphoreType.DMA] * (2 * n_sem),
    )
    def gather_kernel(table_hbm, idx_hbm, out_hbm, idx_v, rows_v, *sems):
        gsems = sems[:n_sem]
        wsems = sems[n_sem:]
        wid = lax.axis_index("s") * _NC + lax.axis_index("c")
        base = wid * per_w
        pltpu.sync_copy(idx_hbm.at[wid], idx_v)

        def g_src(i):
            return table_hbm.at[idx_v.at[i]]

        def wb_start(i, s):
            for e in range(_PAIR):
                pltpu.async_copy(
                    rows_v.at[s, pl.ds(e * hist, hist)],
                    out_hbm.at[(base + i) * _PAIR + e],
                    wsems[s],
                )

        def wb_wait(i, s):
            for e in range(_PAIR):
                pltpu.make_async_copy(
                    rows_v.at[s, pl.ds(e * hist, hist)],
                    out_hbm.at[(base + i) * _PAIR + e],
                    wsems[s],
                ).wait()

        for b in range(_RING):
            pltpu.async_copy(g_src(b), rows_v.at[b], gsems[b])

        def outer(gg, carry):
            for p in range(2):
                g = 2 * gg + p
                for b in range(_RING):
                    s = p * _RING + b
                    sn = (1 - p) * _RING + b
                    i = g * _RING + b
                    pltpu.make_async_copy(g_src(i), rows_v.at[s], gsems[s]).wait()

                    def prefetch(i=i, sn=sn):
                        wb_wait(i - _RING, sn)
                        pltpu.async_copy(g_src(i + _RING), rows_v.at[sn], gsems[sn])

                    if p == 0:
                        @pl.when(gg > 0)
                        def _(i=i, sn=sn):
                            wb_wait(i - _RING, sn)

                        pltpu.async_copy(g_src(i + _RING), rows_v.at[sn], gsems[sn])
                    else:
                        pl.when(gg < half - 1)(prefetch)

                    wb_start(i, s)
            return carry

        lax.fori_loop(0, half, outer, 0)

        for b in range(_RING):
            wb_wait((n_groups - 2) * _RING + b, b)
            wb_wait((n_groups - 1) * _RING + b, _RING + b)

    return gather_kernel


@jax.jit
def kernel(x, emb_matrix):
    b, h = x.shape
    vocab, d = emb_matrix.shape
    idx = x.reshape(_NW, b // (_NW * _PAIR), _PAIR * h)
    return _build_gather(b, h, vocab, d)(emb_matrix, idx)

# --- scband reference (transcript-rebuilt; emitter-appended) ---
"""Pipeline reference for scband-pretrained-embedding-69724499083355 (READ-ONLY COPY).

The authoritative reference and input builder live on the scoring server;
editing this copy changes nothing except your own understanding.
"""

import jax, jax.numpy as jnp
import numpy as np

VOCAB_LEN = 100001  # len(word_to_index) + 1 at production scale
EMB_DIM = 128       # GloVe-style vector dim (pool embed_dim=128)
BATCH = 4096
HIST_LEN = 50


def setup_inputs(seed: int = 0) -> dict:
    key = jax.random.key(seed)
    k_emb, k_idx = jax.random.split(key)
    # Pretrained (frozen) embedding matrix; row 0 is the padding row -> zeros,
    # matching emb_matrix = np.zeros(...) with index 0 never assigned.
    emb_matrix = jax.random.normal(k_emb, (VOCAB_LEN, EMB_DIM), dtype=jnp.float32)
    emb_matrix = emb_matrix.at[0].set(0.0)
    x = jax.random.randint(k_idx, (BATCH, HIST_LEN), 0, VOCAB_LEN - 1, dtype=jnp.int32)
    return {"x": x, "emb_matrix": emb_matrix}


def reference(x, emb_matrix):
    # nn.Embedding.from_pretrained(...)(x) == row gather from the table
    return jnp.take(emb_matrix, x, axis=0)

if __name__ == "__main__":
    import jax
    _d = setup_inputs()
    print(jax.jit(kernel)(*tuple(_d.values())))

</pallas_src>

<mosaic_0001>
#map = affine_map<(d0, d1) -> (0, 0)>
#map1 = affine_map<(d0, d1) -> (0, 0, 0)>
module attributes {stable_mosaic.version = 14 : i64} {
  func.func @gather_kernel(%arg0: i32, %arg1: i32, %arg2: memref<100001x128xf32, #tpu.memory_space<hbm>>, %arg3: memref<32x64x100xi32, #tpu.memory_space<hbm>>, %arg4: memref<4096x50x128xf32, #tpu.memory_space<hbm>>, %arg5: memref<64x100xi32, #tpu.memory_space<vmem>>, %arg6: memref<8x100x128xf32, #tpu.memory_space<vmem>>, %arg7: memref<!tpu.dma_semaphore, #tpu.memory_space<semaphore_mem>>, %arg8: memref<!tpu.dma_semaphore, #tpu.memory_space<semaphore_mem>>, %arg9: memref<!tpu.dma_semaphore, #tpu.memory_space<semaphore_mem>>, %arg10: memref<!tpu.dma_semaphore, #tpu.memory_space<semaphore_mem>>, %arg11: memref<!tpu.dma_semaphore, #tpu.memory_space<semaphore_mem>>, %arg12: memref<!tpu.dma_semaphore, #tpu.memory_space<semaphore_mem>>, %arg13: memref<!tpu.dma_semaphore, #tpu.memory_space<semaphore_mem>>, %arg14: memref<!tpu.dma_semaphore, #tpu.memory_space<semaphore_mem>>, %arg15: memref<!tpu.dma_semaphore, #tpu.memory_space<semaphore_mem>>, %arg16: memref<!tpu.dma_semaphore, #tpu.memory_space<semaphore_mem>>, %arg17: memref<!tpu.dma_semaphore, #tpu.memory_space<semaphore_mem>>, %arg18: memref<!tpu.dma_semaphore, #tpu.memory_space<semaphore_mem>>, %arg19: memref<!tpu.dma_semaphore, #tpu.memory_space<semaphore_mem>>, %arg20: memref<!tpu.dma_semaphore, #tpu.memory_space<semaphore_mem>>, %arg21: memref<!tpu.dma_semaphore, #tpu.memory_space<semaphore_mem>>, %arg22: memref<!tpu.dma_semaphore, #tpu.memory_space<semaphore_mem>>) attributes {dimension_semantics = [#tpu.dimension_semantics<core_parallel>, #tpu.dimension_semantics<subcore_parallel>], iteration_bounds = array<i64: 2, 16>, scalar_prefetch = 0 : i64, scratch_operands = 18 : i64, tpu.core_type = #tpu.core_type<sc_vector_subcore>, window_params = [{transform_indices = #map}, {transform_indices = #map1}, {transform_indices = #map1}]} {
    %mul3A = arith.constant 2 : i32
    %mul3A_0 = arith.muli %arg1, %mul3A : i32
    %add3A = arith.addi %mul3A_0, %arg0 : i32
    %mul3A_1 = arith.constant 64 : i32
    %mul3A_2 = arith.muli %add3A, %mul3A_1 : i32
    "tpu.region"() ({
      %run_scoped3A = tpu.sem_alloc : memref<!tpu.dma_semaphore, #tpu.memory_space<semaphore_mem>>
      %dma_start3A_422 = arith.constant 0 : i32
      %dma_start3A_423 = arith.constant 0 : i32
      %dma_start3A_424 = tpu.memref_slice %arg3[%add3A, %dma_start3A_422, %dma_start3A_423] : memref<32x64x100xi32, #tpu.memory_space<hbm>> -> memref<1x64x100xi32, #tpu.memory_space<hbm>>
      %dma_start3A_425 = tpu.memref_squeeze %dma_start3A_424 : memref<1x64x100xi32, #tpu.memory_space<hbm>> -> memref<64x100xi32, #tpu.memory_space<hbm>>
      %dma_start3A_426 = arith.constant 0 : i32
      %dma_start3A_427 = arith.constant 0 : i32
      %dma_start3A_428 = tpu.memref_slice %arg3[%add3A, %dma_start3A_426, %dma_start3A_427] : memref<32x64x100xi32, #tpu.memory_space<hbm>> -> memref<1x64x100xi32, #tpu.memory_space<hbm>>
      %dma_start3A_429 = tpu.memref_squeeze %dma_start3A_428 : memref<1x64x100xi32, #tpu.memory_space<hbm>> -> memref<64x100xi32, #tpu.memory_space<hbm>>
      tpu.enqueue_dma source(%dma_start3A_429 : memref<64x100xi32, #tpu.memory_space<hbm>>) target(%arg5 : memref<64x100xi32, #tpu.memory_space<vmem>>) target_semaphore(%run_scoped3A : memref<!tpu.dma_semaphore, #tpu.memory_space<semaphore_mem>>)
      %dma_wait3A_430 = arith.constant 0 : i32
      %dma_wait3A_431 = arith.constant 0 : i32
      %dma_wait3A_432 = tpu.memref_slice %arg3[%add3A, %dma_wait3A_430, %dma_wait3A_431] : memref<32x64x100xi32, #tpu.memory_space<hbm>> -> memref<1x64x100xi32, #tpu.memory_space<hbm>>
      %dma_wait3A_433 = tpu.memref_squeeze %dma_wait3A_432 : memref<1x64x100xi32, #tpu.memory_space<hbm>> -> memref<64x100xi32, #tpu.memory_space<hbm>>
      %dma_wait3A_434 = arith.constant 0 : i32
      %dma_wait3A_435 = arith.constant 0 : i32
      %dma_wait3A_436 = tpu.memref_slice %arg3[%add3A, %dma_wait3A_434, %dma_wait3A_435] : memref<32x64x100xi32, #tpu.memory_space<hbm>> -> memref<1x64x100xi32, #tpu.memory_space<hbm>>
      %dma_wait3A_437 = tpu.memref_squeeze %dma_wait3A_436 : memref<1x64x100xi32, #tpu.memory_space<hbm>> -> memref<64x100xi32, #tpu.memory_space<hbm>>
      tpu.wait_dma2 semaphore(%run_scoped3A : memref<!tpu.dma_semaphore, #tpu.memory_space<semaphore_mem>>) src(%dma_wait3A_437 : memref<64x100xi32, #tpu.memory_space<hbm>>) dst(%arg5 : memref<64x100xi32, #tpu.memory_space<vmem>>)
      tpu.yield
    }) : () -> ()
    %dma_start3A = arith.constant 0 : i32
    %dma_start3A_3 = arith.constant 0 : i32
    %dma_start3A_4 = arith.constant 0 : i32
    %dma_start3A_5 = arith.constant 0 : i32
    %dma_start3A_6 = tpu.memref_slice %arg6[%dma_start3A_3, %dma_start3A_4, %dma_start3A_5] : memref<8x100x128xf32, #tpu.memory_space<vmem>> -> memref<1x100x128xf32, #tpu.memory_space<vmem>>
    %dma_start3A_7 = tpu.memref_squeeze %dma_start3A_6 : memref<1x100x128xf32, #tpu.memory_space<vmem>> -> memref<100x128xf32, #tpu.memory_space<vmem>>
    %dma_start3A_8 = arith.constant 0 : i32
    %dma_start3A_9 = tpu.memref_slice %arg5[%dma_start3A, %dma_start3A_8] : memref<64x100xi32, #tpu.memory_space<vmem>> -> memref<1x100xi32, #tpu.memory_space<vmem>>
    %dma_start3A_10 = tpu.memref_squeeze %dma_start3A_9 : memref<1x100xi32, #tpu.memory_space<vmem>> -> memref<100xi32, #tpu.memory_space<vmem>>
    %dma_start3A_11 = arith.constant 0 : i32
    %dma_start3A_12 = arith.constant 0 : i32
    %dma_start3A_13 = tpu.memref_slice %arg2[%dma_start3A_11, %dma_start3A_12] : memref<100001x128xf32, #tpu.memory_space<hbm>> -> memref<100001x128xf32, #tpu.memory_space<hbm>>
    tpu.enqueue_indirect_dma source(%dma_start3A_13 : memref<100001x128xf32, #tpu.memory_space<hbm>>) target(%dma_start3A_7 : memref<100x128xf32, #tpu.memory_space<vmem>>) offsets(%dma_start3A_10 : memref<100xi32, #tpu.memory_space<vmem>>) semaphore(%arg7 : memref<!tpu.dma_semaphore, #tpu.memory_space<semaphore_mem>>)
    %dma_start3A_14 = arith.constant 1 : i32
    %dma_start3A_15 = arith.constant 1 : i32
    %dma_start3A_16 = arith.constant 0 : i32
    %dma_start3A_17 = arith.constant 0 : i32
    %dma_start3A_18 = tpu.memref_slice %arg6[%dma_start3A_15, %dma_start3A_16, %dma_start3A_17] : memref<8x100x128xf32, #tpu.memory_space<vmem>> -> memref<1x100x128xf32, #tpu.memory_space<vmem>>
    %dma_start3A_19 = tpu.memref_squeeze %dma_start3A_18 : memref<1x100x128xf32, #tpu.memory_space<vmem>> -> memref<100x128xf32, #tpu.memory_space<vmem>>
    %dma_start3A_20 = arith.constant 0 : i32
    %dma_start3A_21 = tpu.memref_slice %arg5[%dma_start3A_14, %dma_start3A_20] : memref<64x100xi32, #tpu.memory_space<vmem>> -> memref<1x100xi32, #tpu.memory_space<vmem>>
    %dma_start3A_22 = tpu.memref_squeeze %dma_start3A_21 : memref<1x100xi32, #tpu.memory_space<vmem>> -> memref<100xi32, #tpu.memory_space<vmem>>
    %dma_start3A_23 = arith.constant 0 : i32
    %dma_start3A_24 = arith.constant 0 : i32
    %dma_start3A_25 = tpu.memref_slice %arg2[%dma_start3A_23, %dma_start3A_24] : memref<100001x128xf32, #tpu.memory_space<hbm>> -> memref<100001x128xf32, #tpu.memory_space<hbm>>
    tpu.enqueue_indirect_dma source(%dma_start3A_25 : memref<100001x128xf32, #tpu.memory_space<hbm>>) target(%dma_start3A_19 : memref<100x128xf32, #tpu.memory_space<vmem>>) offsets(%dma_start3A_22 : memref<100xi32, #tpu.memory_space<vmem>>) semaphore(%arg8 : memref<!tpu.dma_semaphore, #tpu.memory_space<semaphore_mem>>)
    %dma_start3A_26 = arith.constant 2 : i32
    %dma_start3A_27 = arith.constant 2 : i32
    %dma_start3A_28 = arith.constant 0 : i32
    %dma_start3A_29 = arith.constant 0 : i32
    %dma_start3A_30 = tpu.memref_slice %arg6[%dma_start3A_27, %dma_start3A_28, %dma_start3A_29] : memref<8x100x128xf32, #tpu.memory_space<vmem>> -> memref<1x100x128xf32, #tpu.memory_space<vmem>>
    %dma_start3A_31 = tpu.memref_squeeze %dma_start3A_30 : memref<1x100x128xf32, #tpu.memory_space<vmem>> -> memref<100x128xf32, #tpu.memory_space<vmem>>
    %dma_start3A_32 = arith.constant 0 : i32
    %dma_start3A_33 = tpu.memref_slice %arg5[%dma_start3A_26, %dma_start3A_32] : memref<64x100xi32, #tpu.memory_space<vmem>> -> memref<1x100xi32, #tpu.memory_space<vmem>>
    %dma_start3A_34 = tpu.memref_squeeze %dma_start3A_33 : memref<1x100xi32, #tpu.memory_space<vmem>> -> memref<100xi32, #tpu.memory_space<vmem>>
    %dma_start3A_35 = arith.constant 0 : i32
    %dma_start3A_36 = arith.constant 0 : i32
    %dma_start3A_37 = tpu.memref_slice %arg2[%dma_start3A_35, %dma_start3A_36] : memref<100001x128xf32, #tpu.memory_space<hbm>> -> memref<100001x128xf32, #tpu.memory_space<hbm>>
    tpu.enqueue_indirect_dma source(%dma_start3A_37 : memref<100001x128xf32, #tpu.memory_space<hbm>>) target(%dma_start3A_31 : memref<100x128xf32, #tpu.memory_space<vmem>>) offsets(%dma_start3A_34 : memref<100xi32, #tpu.memory_space<vmem>>) semaphore(%arg9 : memref<!tpu.dma_semaphore, #tpu.memory_space<semaphore_mem>>)
    %dma_start3A_38 = arith.constant 3 : i32
    %dma_start3A_39 = arith.constant 3 : i32
    %dma_start3A_40 = arith.constant 0 : i32
    %dma_start3A_41 = arith.constant 0 : i32
    %dma_start3A_42 = tpu.memref_slice %arg6[%dma_start3A_39, %dma_start3A_40, %dma_start3A_41] : memref<8x100x128xf32, #tpu.memory_space<vmem>> -> memref<1x100x128xf32, #tpu.memory_space<vmem>>
    %dma_start3A_43 = tpu.memref_squeeze %dma_start3A_42 : memref<1x100x128xf32, #tpu.memory_space<vmem>> -> memref<100x128xf32, #tpu.memory_space<vmem>>
    %dma_start3A_44 = arith.constant 0 : i32
    %dma_start3A_45 = tpu.memref_slice %arg5[%dma_start3A_38, %dma_start3A_44] : memref<64x100xi32, #tpu.memory_space<vmem>> -> memref<1x100xi32, #tpu.memory_space<vmem>>
    %dma_start3A_46 = tpu.memref_squeeze %dma_start3A_45 : memref<1x100xi32, #tpu.memory_space<vmem>> -> memref<100xi32, #tpu.memory_space<vmem>>
    %dma_start3A_47 = arith.constant 0 : i32
    %dma_start3A_48 = arith.constant 0 : i32
    %dma_start3A_49 = tpu.memref_slice %arg2[%dma_start3A_47, %dma_start3A_48] : memref<100001x128xf32, #tpu.memory_space<hbm>> -> memref<100001x128xf32, #tpu.memory_space<hbm>>
    tpu.enqueue_indirect_dma source(%dma_start3A_49 : memref<100001x128xf32, #tpu.memory_space<hbm>>) target(%dma_start3A_43 : memref<100x128xf32, #tpu.memory_space<vmem>>) offsets(%dma_start3A_46 : memref<100xi32, #tpu.memory_space<vmem>>) semaphore(%arg10 : memref<!tpu.dma_semaphore, #tpu.memory_space<semaphore_mem>>)
    %scan3A = arith.constant 0 : i32
    %scan3A_50 = arith.constant 0 : i32
    %scan3A_51 = arith.constant 8 : i32
    %scan3A_52 = arith.addi %scan3A_50, %scan3A_51 : i32
    %scan3A_53 = arith.constant 1 : i32
    scf.for %scan3A_422 = %scan3A_50 to %scan3A_52 step %scan3A_53  : i32 {
      %mul3A_423 = arith.constant 2 : i32
      %mul3A_424 = arith.muli %mul3A_423, %scan3A_422 : i32
      %add3A_425 = arith.constant 0 : i32
      %add3A_426 = arith.addi %mul3A_424, %add3A_425 : i32
      %mul3A_427 = arith.constant 4 : i32
      %mul3A_428 = arith.muli %add3A_426, %mul3A_427 : i32
      %add3A_429 = arith.constant 0 : i32
      %add3A_430 = arith.addi %mul3A_428, %add3A_429 : i32
      %dma_wait3A_431 = arith.constant 0 : i32
      %dma_wait3A_432 = arith.constant 0 : i32
      %dma_wait3A_433 = arith.constant 0 : i32
      %dma_wait3A_434 = tpu.memref_slice %arg6[%dma_wait3A_431, %dma_wait3A_432, %dma_wait3A_433] : memref<8x100x128xf32, #tpu.memory_space<vmem>> -> memref<1x100x128xf32, #tpu.memory_space<vmem>>
      %dma_wait3A_435 = tpu.memref_squeeze %dma_wait3A_434 : memref<1x100x128xf32, #tpu.memory_space<vmem>> -> memref<100x128xf32, #tpu.memory_space<vmem>>
      %dma_wait3A_436 = arith.constant 0 : i32
      %dma_wait3A_437 = tpu.memref_slice %arg5[%add3A_430, %dma_wait3A_436] : memref<64x100xi32, #tpu.memory_space<vmem>> -> memref<1x100xi32, #tpu.memory_space<vmem>>
      %dma_wait3A_438 = tpu.memref_squeeze %dma_wait3A_437 : memref<1x100xi32, #tpu.memory_space<vmem>> -> memref<100xi32, #tpu.memory_space<vmem>>
      %dma_wait3A_439 = arith.constant 0 : i32
      %dma_wait3A_440 = arith.constant 0 : i32
      %dma_wait3A_441 = tpu.memref_slice %arg2[%dma_wait3A_439, %dma_wait3A_440] : memref<100001x128xf32, #tpu.memory_space<hbm>> -> memref<100001x128xf32, #tpu.memory_space<hbm>>
      tpu.wait_indirect_dma semaphore(%arg7 : memref<!tpu.dma_semaphore, #tpu.memory_space<semaphore_mem>>) src(%dma_wait3A_441 : memref<100001x128xf32, #tpu.memory_space<hbm>>) dst(%dma_wait3A_435 : memref<100x128xf32, #tpu.memory_space<vmem>>)
      %gt3A = arith.constant 0 : i32
      %gt3A_442 = arith.cmpi sgt, %scan3A_422, %gt3A : i32
      %convert_element_type3A = arith.extui %gt3A_442 : i1 to i32
      %cond3A = arith.constant 0 : i32
      %cond3A_443 = arith.cmpi ne, %convert_element_type3A, %cond3A : i32
      scf.if %cond3A_443 {
        %sub3A = arith.constant 4 : i32
        %sub3A_991 = arith.subi %add3A_430, %sub3A : i32
        %add3A_992 = arith.addi %mul3A_2, %sub3A_991 : i32
        %mul3A_993 = arith.constant 2 : i32
        %mul3A_994 = arith.muli %add3A_992, %mul3A_993 : i32
        %add3A_995 = arith.constant 0 : i32
        %add3A_996 = arith.addi %mul3A_994, %add3A_995 : i32
        %dma_wait3A_997 = arith.constant 4 : i32
        %dma_wait3A_998 = arith.constant 0 : i32
        %dma_wait3A_999 = arith.constant 0 : i32
        %dma_wait3A_1000 = tpu.memref_slice %arg6[%dma_wait3A_997, %dma_wait3A_998, %dma_wait3A_999] : memref<8x100x128xf32, #tpu.memory_space<vmem>> -> memref<1x50x128xf32, #tpu.memory_space<vmem>>
        %dma_wait3A_1001 = tpu.memref_squeeze %dma_wait3A_1000 : memref<1x50x128xf32, #tpu.memory_space<vmem>> -> memref<50x128xf32, #tpu.memory_space<vmem>>
        %dma_wait3A_1002 = arith.constant 0 : i32
        %dma_wait3A_1003 = arith.constant 0 : i32
        %dma_wait3A_1004 = tpu.memref_slice %arg4[%add3A_996, %dma_wait3A_1002, %dma_wait3A_1003] : memref<4096x50x128xf32, #tpu.memory_space<hbm>> -> memref<1x50x128xf32, #tpu.memory_space<hbm>>
        %dma_wait3A_1005 = tpu.memref_squeeze %dma_wait3A_1004 : memref<1x50x128xf32, #tpu.memory_space<hbm>> -> memref<50x128xf32, #tpu.memory_space<hbm>>
        %dma_wait3A_1006 = arith.constant 0 : i32
        %dma_wait3A_1007 = arith.constant 0 : i32
        %dma_wait3A_1008 = tpu.memref_slice %arg4[%add3A_996, %dma_wait3A_1006, %dma_wait3A_1007] : memref<4096x50x128xf32, #tpu.memory_space<hbm>> -> memref<1x50x128xf32, #tpu.memory_space<hbm>>
        %dma_wait3A_1009 = tpu.memref_squeeze %dma_wait3A_1008 : memref<1x50x128xf32, #tpu.memory_space<hbm>> -> memref<50x128xf32, #tpu.memory_space<hbm>>
        %dma_wait3A_1010 = arith.constant 0 : i32
        %dma_wait3A_1011 = arith.constant 0 : i32
        %dma_wait3A_1012 = tpu.memref_slice %arg6[%dma_wait3A_997, %dma_wait3A_1010, %dma_wait3A_1011] : memref<8x100x128xf32, #tpu.memory_space<vmem>> -> memref<1x50x128xf32, #tpu.memory_space<vmem>>
        %dma_wait3A_1013 = tpu.memref_squeeze %dma_wait3A_1012 : memref<1x50x128xf32, #tpu.memory_space<vmem>> -> memref<50x128xf32, #tpu.memory_space<vmem>>
        tpu.wait_dma2 semaphore(%arg19 : memref<!tpu.dma_semaphore, #tpu.memory_space<semaphore_mem>>) src(%dma_wait3A_1013 : memref<50x128xf32, #tpu.memory_space<vmem>>) dst(%dma_wait3A_1009 : memref<50x128xf32, #tpu.memory_space<hbm>>)
        %add3A_1014 = arith.addi %mul3A_2, %sub3A_991 : i32
        %mul3A_1015 = arith.constant 2 : i32
        %mul3A_1016 = arith.muli %add3A_1014, %mul3A_1015 : i32
        %add3A_1017 = arith.constant 1 : i32
        %add3A_1018 = arith.addi %mul3A_1016, %add3A_1017 : i32
        %dma_wait3A_1019 = arith.constant 4 : i32
        %dma_wait3A_1020 = arith.constant 50 : i32
        %dma_wait3A_1021 = arith.constant 0 : i32
        %dma_wait3A_1022 = tpu.memref_slice %arg6[%dma_wait3A_1019, %dma_wait3A_1020, %dma_wait3A_1021] : memref<8x100x128xf32, #tpu.memory_space<vmem>> -> memref<1x50x128xf32, #tpu.memory_space<vmem>>
        %dma_wait3A_1023 = tpu.memref_squeeze %dma_wait3A_1022 : memref<1x50x128xf32, #tpu.memory_space<vmem>> -> memref<50x128xf32, #tpu.memory_space<vmem>>
        %dma_wait3A_1024 = arith.constant 0 : i32
        %dma_wait3A_1025 = arith.constant 0 : i32
        %dma_wait3A_1026 = tpu.memref_slice %arg4[%add3A_1018, %dma_wait3A_1024, %dma_wait3A_1025] : memref<4096x50x128xf32, #tpu.memory_space<hbm>> -> memref<1x50x128xf32, #tpu.memory_space<hbm>>
        %dma_wait3A_1027 = tpu.memref_squeeze %dma_wait3A_1026 : memref<1x50x128xf32, #tpu.memory_space<hbm>> -> memref<50x128xf32, #tpu.memory_space<hbm>>
        %dma_wait3A_1028 = arith.constant 0 : i32
        %dma_wait3A_1029 = arith.constant 0 : i32
        %dma_wait3A_1030 = tpu.memref_slice %arg4[%add3A_1018, %dma_wait3A_1028, %dma_wait3A_1029] : memref<4096x50x128xf32, #tpu.memory_space<hbm>> -> memref<1x50x128xf32, #tpu.memory_space<hbm>>
        %dma_wait3A_1031 = tpu.memref_squeeze %dma_wait3A_1030 : memref<1x50x128xf32, #tpu.memory_space<hbm>> -> memref<50x128xf32, #tpu.memory_space<hbm>>
        %dma_wait3A_1032 = arith.constant 50 : i32
        %dma_wait3A_1033 = arith.constant 0 : i32
        %dma_wait3A_1034 = tpu.memref_slice %arg6[%dma_wait3A_1019, %dma_wait3A_1032, %dma_wait3A_1033] : memref<8x100x128xf32, #tpu.memory_space<vmem>> -> memref<1x50x128xf32, #tpu.memory_space<vmem>>
        %dma_wait3A_1035 = tpu.memref_squeeze %dma_wait3A_1034 : memref<1x50x128xf32, #tpu.memory_space<vmem>> -> memref<50x128xf32, #tpu.memory_space<vmem>>
        tpu.wait_dma2 semaphore(%arg19 : memref<!tpu.dma_semaphore, #tpu.memory_space<semaphore_mem>>) src(%dma_wait3A_1035 : memref<50x128xf32, #tpu.memory_space<vmem>>) dst(%dma_wait3A_1031 : memref<50x128xf32, #tpu.memory_space<hbm>>)
      } else {
      }
      %add3A_444 = arith.constant 4 : i32
      %add3A_445 = arith.addi %add3A_430, %add3A_444 : i32
      %dma_start3A_446 = arith.constant 4 : i32
      %dma_start3A_447 = arith.constant 0 : i32
      %dma_start3A_448 = arith.constant 0 : i32
      %dma_start3A_449 = tpu.memref_slice %arg6[%dma_start3A_446, %dma_start3A_447, %dma_start3A_448] : memref<8x100x128xf32, #tpu.memory_space<vmem>> -> memref<1x100x128xf32, #tpu.memory_space<vmem>>
      %dma_start3A_450 = tpu.memref_squeeze %dma_start3A_449 : memref<1x100x128xf32, #tpu.memory_space<vmem>> -> memref<100x128xf32, #tpu.memory_space<vmem>>
      %dma_start3A_451 = arith.constant 0 : i32
      %dma_start3A_452 = tpu.memref_slice %arg5[%add3A_445, %dma_start3A_451] : memref<64x100xi32, #tpu.memory_space<vmem>> -> memref<1x100xi32, #tpu.memory_space<vmem>>
      %dma_start3A_453 = tpu.memref_squeeze %dma_start3A_452 : memref<1x100xi32, #tpu.memory_space<vmem>> -> memref<100xi32, #tpu.memory_space<vmem>>
      %dma_start3A_454 = arith.constant 0 : i32
      %dma_start3A_455 = arith.constant 0 : i32
      %dma_start3A_456 = tpu.memref_slice %arg2[%dma_start3A_454, %dma_start3A_455] : memref<100001x128xf32, #tpu.memory_space<hbm>> -> memref<100001x128xf32, #tpu.memory_space<hbm>>
      tpu.enqueue_indirect_dma source(%dma_start3A_456 : memref<100001x128xf32, #tpu.memory_space<hbm>>) target(%dma_start3A_450 : memref<100x128xf32, #tpu.memory_space<vmem>>) offsets(%dma_start3A_453 : memref<100xi32, #tpu.memory_space<vmem>>) semaphore(%arg11 : memref<!tpu.dma_semaphore, #tpu.memory_space<semaphore_mem>>)
      %add3A_457 = arith.addi %mul3A_2, %add3A_430 : i32
      %mul3A_458 = arith.constant 2 : i32
      %mul3A_459 = arith.muli %add3A_457, %mul3A_458 : i32
      %add3A_460 = arith.constant 0 : i32
      %add3A_461 = arith.addi %mul3A_459, %add3A_460 : i32
      %dma_start3A_462 = arith.constant 0 : i32
      %dma_start3A_463 = arith.constant 0 : i32
      %dma_start3A_464 = arith.constant 0 : i32
      %dma_start3A_465 = tpu.memref_slice %arg6[%dma_start3A_462, %dma_start3A_463, %dma_start3A_464] : memref<8x100x128xf32, #tpu.memory_space<vmem>> -> memref<1x50x128xf32, #tpu.memory_space<vmem>>
      %dma_start3A_466 = tpu.memref_squeeze %dma_start3A_465 : memref<1x50x128xf32, #tpu.memory_space<vmem>> -> memref<50x128xf32, #tpu.memory_space<vmem>>
      %dma_start3A_467 = arith.constant 0 : i32
      %dma_start3A_468 = arith.constant 0 : i32
      %dma_start3A_469 = tpu.memref_slice %arg4[%add3A_461, %dma_start3A_467, %dma_start3A_468] : memref<4096x50x128xf32, #tpu.memory_space<hbm>> -> memref<1x50x128xf32, #tpu.memory_space<hbm>>
      %dma_start3A_470 = tpu.memref_squeeze %dma_start3A_469 : memref<1x50x128xf32, #tpu.memory_space<hbm>> -> memref<50x128xf32, #tpu.memory_space<hbm>>
      %dma_start3A_471 = arith.constant 0 : i32
      %dma_start3A_472 = arith.constant 0 : i32
      %dma_start3A_473 = tpu.memref_slice %arg4[%add3A_461, %dma_start3A_471, %dma_start3A_472] : memref<4096x50x128xf32, #tpu.memory_space<hbm>> -> memref<1x50x128xf32, #tpu.memory_space<hbm>>
      %dma_start3A_474 = tpu.memref_squeeze %dma_start3A_473 : memref<1x50x128xf32, #tpu.memory_space<hbm>> -> memref<50x128xf32, #tpu.memory_space<hbm>>
      %dma_start3A_475 = arith.constant 0 : i32
      %dma_start3A_476 = arith.constant 0 : i32
      %dma_start3A_477 = tpu.memref_slice %arg6[%dma_start3A_462, %dma_start3A_475, %dma_start3A_476] : memref<8x100x128xf32, #tpu.memory_space<vmem>> -> memref<1x50x128xf32, #tpu.memory_space<vmem>>
      %dma_start3A_478 = tpu.memref_squeeze %dma_start3A_477 : memref<1x50x128xf32, #tpu.memory_space<vmem>> -> memref<50x128xf32, #tpu.memory_space<vmem>>
      tpu.enqueue_dma source(%dma_start3A_478 : memref<50x128xf32, #tpu.memory_space<vmem>>) target(%dma_start3A_474 : memref<50x128xf32, #tpu.memory_space<hbm>>) target_semaphore(%arg15 : memref<!tpu.dma_semaphore, #tpu.memory_space<semaphore_mem>>)
      %add3A_479 = arith.addi %mul3A_2, %add3A_430 : i32
      %mul3A_480 = arith.constant 2 : i32
      %mul3A_481 = arith.muli %add3A_479, %mul3A_480 : i32
      %add3A_482 = arith.constant 1 : i32
      %add3A_483 = arith.addi %mul3A_481, %add3A_482 : i32
      %dma_start3A_484 = arith.constant 0 : i32
      %dma_start3A_485 = arith.constant 50 : i32
      %dma_start3A_486 = arith.constant 0 : i32
      %dma_start3A_487 = tpu.memref_slice %arg6[%dma_start3A_484, %dma_start3A_485, %dma_start3A_486] : memref<8x100x128xf32, #tpu.memory_space<vmem>> -> memref<1x50x128xf32, #tpu.memory_space<vmem>>
      %dma_start3A_488 = tpu.memref_squeeze %dma_start3A_487 : memref<1x50x128xf32, #tpu.memory_space<vmem>> -> memref<50x128xf32, #tpu.memory_space<vmem>>
      %dma_start3A_489 = arith.constant 0 : i32
      %dma_start3A_490 = arith.constant 0 : i32
      %dma_start3A_491 = tpu.memref_slice %arg4[%add3A_483, %dma_start3A_489, %dma_start3A_490] : memref<4096x50x128xf32, #tpu.memory_space<hbm>> -> memref<1x50x128xf32, #tpu.memory_space<hbm>>
      %dma_start3A_492 = tpu.memref_squeeze %dma_start3A_491 : memref<1x50x128xf32, #tpu.memory_space<hbm>> -> memref<50x128xf32, #tpu.memory_space<hbm>>
      %dma_start3A_493 = arith.constant 0 : i32
      %dma_start3A_494 = arith.constant 0 : i32
      %dma_start3A_495 = tpu.memref_slice %arg4[%add3A_483, %dma_start3A_493, %dma_start3A_494] : memref<4096x50x128xf32, #tpu.memory_space<hbm>> -> memref<1x50x128xf32, #tpu.memory_space<hbm>>
      %dma_start3A_496 = tpu.memref_squeeze %dma_start3A_495 : memref<1x50x128xf32, #tpu.memory_space<hbm>> -> memref<50x128xf32, #tpu.memory_space<hbm>>
      %dma_start3A_497 = arith.constant 50 : i32
      %dma_start3A_498 = arith.constant 0 : i32
      %dma_start3A_499 = tpu.memref_slice %arg6[%dma_start3A_484, %dma_start3A_497, %dma_start3A_498] : memref<8x100x128xf32, #tpu.memory_space<vmem>> -> memref<1x50x128xf32, #tpu.memory_space<vmem>>
      %dma_start3A_500 = tpu.memref_squeeze %dma_start3A_499 : memref<1x50x128xf32, #tpu.memory_space<vmem>> -> memref<50x128xf32, #tpu.memory_space<vmem>>
      tpu.enqueue_dma source(%dma_start3A_500 : memref<50x128xf32, #tpu.memory_space<vmem>>) target(%dma_start3A_496 : memref<50x128xf32, #tpu.memory_space<hbm>>) target_semaphore(%arg15 : memref<!tpu.dma_semaphore, #tpu.memory_space<semaphore_mem>>)
      %mul3A_501 = arith.constant 4 : i32
      %mul3A_502 = arith.muli %add3A_426, %mul3A_501 : i32
      %add3A_503 = arith.constant 1 : i32
      %add3A_504 = arith.addi %mul3A_502, %add3A_503 : i32
      %dma_wait3A_505 = arith.constant 1 : i32
      %dma_wait3A_506 = arith.constant 0 : i32
      %dma_wait3A_507 = arith.constant 0 : i32
      %dma_wait3A_508 = tpu.memref_slice %arg6[%dma_wait3A_505, %dma_wait3A_506, %dma_wait3A_507] : memref<8x100x128xf32, #tpu.memory_space<vmem>> -> memref<1x100x128xf32, #tpu.memory_space<vmem>>
      %dma_wait3A_509 = tpu.memref_squeeze %dma_wait3A_508 : memref<1x100x128xf32, #tpu.memory_space<vmem>> -> memref<100x128xf32, #tpu.memory_space<vmem>>
      %dma_wait3A_510 = arith.constant 0 : i32
      %dma_wait3A_511 = tpu.memref_slice %arg5[%add3A_504, %dma_wait3A_510] : memref<64x100xi32, #tpu.memory_space<vmem>> -> memref<1x100xi32, #tpu.memory_space<vmem>>
      %dma_wait3A_512 = tpu.memref_squeeze %dma_wait3A_511 : memref<1x100xi32, #tpu.memory_space<vmem>> -> memref<100xi32, #tpu.memory_space<vmem>>
      %dma_wait3A_513 = arith.constant 0 : i32
      %dma_wait3A_514 = arith.constant 0 : i32
      %dma_wait3A_515 = tpu.memref_slice %arg2[%dma_wait3A_513, %dma_wait3A_514] : memref<100001x128xf32, #tpu.memory_space<hbm>> -> memref<100001x128xf32, #tpu.memory_space<hbm>>
      tpu.wait_indirect_dma semaphore(%arg8 : memref<!tpu.dma_semaphore, #tpu.memory_space<semaphore_mem>>) src(%dma_wait3A_515 : memref<100001x128xf32, #tpu.memory_space<hbm>>) dst(%dma_wait3A_509 : memref<100x128xf32, #tpu.memory_space<vmem>>)
      %gt3A_516 = arith.constant 0 : i32
      %gt3A_517 = arith.cmpi sgt, %scan3A_422, %gt3A_516 : i32
      %convert_element_type3A_518 = arith.extui %gt3A_517 : i1 to i32
      %cond3A_519 = arith.constant 0 : i32
      %cond3A_520 = arith.cmpi ne, %convert_element_type3A_518, %cond3A_519 : i32
      scf.if %cond3A_520 {
        %sub3A = arith.constant 4 : i32
        %sub3A_991 = arith.subi %add3A_504, %sub3A : i32
        %add3A_992 = arith.addi %mul3A_2, %sub3A_991 : i32
        %mul3A_993 = arith.constant 2 : i32
        %mul3A_994 = arith.muli %add3A_992, %mul3A_993 : i32
        %add3A_995 = arith.constant 0 : i32
        %add3A_996 = arith.addi %mul3A_994, %add3A_995 : i32
        %dma_wait3A_997 = arith.constant 5 : i32
        %dma_wait3A_998 = arith.constant 0 : i32
        %dma_wait3A_999 = arith.constant 0 : i32
        %dma_wait3A_1000 = tpu.memref_slice %arg6[%dma_wait3A_997, %dma_wait3A_998, %dma_wait3A_999] : memref<8x100x128xf32, #tpu.memory_space<vmem>> -> memref<1x50x128xf32, #tpu.memory_space<vmem>>
        %dma_wait3A_1001 = tpu.memref_squeeze %dma_wait3A_1000 : memref<1x50x128xf32, #tpu.memory_space<vmem>> -> memref<50x128xf32, #tpu.memory_space<vmem>>
        %dma_wait3A_1002 = arith.constant 0 : i32
        %dma_wait3A_1003 = arith.constant 0 : i32
        %dma_wait3A_1004 = tpu.memref_slice %arg4[%add3A_996, %dma_wait3A_1002, %dma_wait3A_1003] : memref<4096x50x128xf32, #tpu.memory_space<hbm>> -> memref<1x50x128xf32, #tpu.memory_space<hbm>>
        %dma_wait3A_1005 = tpu.memref_squeeze %dma_wait3A_1004 : memref<1x50x128xf32, #tpu.memory_space<hbm>> -> memref<50x128xf32, #tpu.memory_space<hbm>>
        %dma_wait3A_1006 = arith.constant 0 : i32
        %dma_wait3A_1007 = arith.constant 0 : i32
        %dma_wait3A_1008 = tpu.memref_slice %arg4[%add3A_996, %dma_wait3A_1006, %dma_wait3A_1007] : memref<4096x50x128xf32, #tpu.memory_space<hbm>> -> memref<1x50x128xf32, #tpu.memory_space<hbm>>
        %dma_wait3A_1009 = tpu.memref_squeeze %dma_wait3A_1008 : memref<1x50x128xf32, #tpu.memory_space<hbm>> -> memref<50x128xf32, #tpu.memory_space<hbm>>
        %dma_wait3A_1010 = arith.constant 0 : i32
        %dma_wait3A_1011 = arith.constant 0 : i32
        %dma_wait3A_1012 = tpu.memref_slice %arg6[%dma_wait3A_997, %dma_wait3A_1010, %dma_wait3A_1011] : memref<8x100x128xf32, #tpu.memory_space<vmem>> -> memref<1x50x128xf32, #tpu.memory_space<vmem>>
        %dma_wait3A_1013 = tpu.memref_squeeze %dma_wait3A_1012 : memref<1x50x128xf32, #tpu.memory_space<vmem>> -> memref<50x128xf32, #tpu.memory_space<vmem>>
        tpu.wait_dma2 semaphore(%arg20 : memref<!tpu.dma_semaphore, #tpu.memory_space<semaphore_mem>>) src(%dma_wait3A_1013 : memref<50x128xf32, #tpu.memory_space<vmem>>) dst(%dma_wait3A_1009 : memref<50x128xf32, #tpu.memory_space<hbm>>)
        %add3A_1014 = arith.addi %mul3A_2, %sub3A_991 : i32
        %mul3A_1015 = arith.constant 2 : i32
        %mul3A_1016 = arith.muli %add3A_1014, %mul3A_1015 : i32
        %add3A_1017 = arith.constant 1 : i32
        %add3A_1018 = arith.addi %mul3A_1016, %add3A_1017 : i32
        %dma_wait3A_1019 = arith.constant 5 : i32
        %dma_wait3A_1020 = arith.constant 50 : i32
        %dma_wait3A_1021 = arith.constant 0 : i32
        %dma_wait3A_1022 = tpu.memref_slice %arg6[%dma_wait3A_1019, %dma_wait3A_1020, %dma_wait3A_1021] : memref<8x100x128xf32, #tpu.memory_space<vmem>> -> memref<1x50x128xf32, #tpu.memory_space<vmem>>
        %dma_wait3A_1023 = tpu.memref_squeeze %dma_wait3A_1022 : memref<1x50x128xf32, #tpu.memory_space<vmem>> -> memref<50x128xf32, #tpu.memory_space<vmem>>
        %dma_wait3A_1024 = arith.constant 0 : i32
        %dma_wait3A_1025 = arith.constant 0 : i32
        %dma_wait3A_1026 = tpu.memref_slice %arg4[%add3A_1018, %dma_wait3A_1024, %dma_wait3A_1025] : memref<4096x50x128xf32, #tpu.memory_space<hbm>> -> memref<1x50x128xf32, #tpu.memory_space<hbm>>
        %dma_wait3A_1027 = tpu.memref_squeeze %dma_wait3A_1026 : memref<1x50x128xf32, #tpu.memory_space<hbm>> -> memref<50x128xf32, #tpu.memory_space<hbm>>
        %dma_wait3A_1028 = arith.constant 0 : i32
        %dma_wait3A_1029 = arith.constant 0 : i32
        %dma_wait3A_1030 = tpu.memref_slice %arg4[%add3A_1018, %dma_wait3A_1028, %dma_wait3A_1029] : memref<4096x50x128xf32, #tpu.memory_space<hbm>> -> memref<1x50x128xf32, #tpu.memory_space<hbm>>
        %dma_wait3A_1031 = tpu.memref_squeeze %dma_wait3A_1030 : memref<1x50x128xf32, #tpu.memory_space<hbm>> -> memref<50x128xf32, #tpu.memory_space<hbm>>
        %dma_wait3A_1032 = arith.constant 50 : i32
        %dma_wait3A_1033 = arith.constant 0 : i32
        %dma_wait3A_1034 = tpu.memref_slice %arg6[%dma_wait3A_1019, %dma_wait3A_1032, %dma_wait3A_1033] : memref<8x100x128xf32, #tpu.memory_space<vmem>> -> memref<1x50x128xf32, #tpu.memory_space<vmem>>
        %dma_wait3A_1035 = tpu.memref_squeeze %dma_wait3A_1034 : memref<1x50x128xf32, #tpu.memory_space<vmem>> -> memref<50x128xf32, #tpu.memory_space<vmem>>
        tpu.wait_dma2 semaphore(%arg20 : memref<!tpu.dma_semaphore, #tpu.memory_space<semaphore_mem>>) src(%dma_wait3A_1035 : memref<50x128xf32, #tpu.memory_space<vmem>>) dst(%dma_wait3A_1031 : memref<50x128xf32, #tpu.memory_space<hbm>>)
      } else {
      }
      %add3A_521 = arith.constant 4 : i32
      %add3A_522 = arith.addi %add3A_504, %add3A_521 : i32
      %dma_start3A_523 = arith.constant 5 : i32
      %dma_start3A_524 = arith.constant 0 : i32
      %dma_start3A_525 = arith.constant 0 : i32
      %dma_start3A_526 = tpu.memref_slice %arg6[%dma_start3A_523, %dma_start3A_524, %dma_start3A_525] : memref<8x100x128xf32, #tpu.memory_space<vmem>> -> memref<1x100x128xf32, #tpu.memory_space<vmem>>
      %dma_start3A_527 = tpu.memref_squeeze %dma_start3A_526 : memref<1x100x128xf32, #tpu.memory_space<vmem>> -> memref<100x128xf32, #tpu.memory_space<vmem>>
      %dma_start3A_528 = arith.constant 0 : i32
      %dma_start3A_529 = tpu.memref_slice %arg5[%add3A_522, %dma_start3A_528] : memref<64x100xi32, #tpu.memory_space<vmem>> -> memref<1x100xi32, #tpu.memory_space<vmem>>
      %dma_start3A_530 = tpu.memref_squeeze %dma_start3A_529 : memref<1x100xi32, #tpu.memory_space<vmem>> -> memref<100xi32, #tpu.memory_space<vmem>>
      %dma_start3A_531 = arith.constant 0 : i32
      %dma_start3A_532 = arith.constant 0 : i32
      %dma_start3A_533 = tpu.memref_slice %arg2[%dma_start3A_531, %dma_start3A_532] : memref<100001x128xf32, #tpu.memory_space<hbm>> -> memref<100001x128xf32, #tpu.memory_space<hbm>>
      tpu.enqueue_indirect_dma source(%dma_start3A_533 : memref<100001x128xf32, #tpu.memory_space<hbm>>) target(%dma_start3A_527 : memref<100x128xf32, #tpu.memory_space<vmem>>) offsets(%dma_start3A_530 : memref<100xi32, #tpu.memory_space<vmem>>) semaphore(%arg12 : memref<!tpu.dma_semaphore, #tpu.memory_space<semaphore_mem>>)
      %add3A_534 = arith.addi %mul3A_2, %add3A_504 : i32
      %mul3A_535 = arith.constant 2 : i32
      %mul3A_536 = arith.muli %add3A_534, %mul3A_535 : i32
      %add3A_537 = arith.constant 0 : i32
      %add3A_538 = arith.addi %mul3A_536, %add3A_537 : i32
      %dma_start3A_539 = arith.constant 1 : i32
      %dma_start3A_540 = arith.constant 0 : i32
      %dma_start3A_541 = arith.constant 0 : i32
      %dma_start3A_542 = tpu.memref_slice %arg6[%dma_start3A_539, %dma_start3A_540, %dma_start3A_541] : memref<8x100x128xf32, #tpu.memory_space<vmem>> -> memref<1x50x128xf32, #tpu.memory_space<vmem>>
      %dma_start3A_543 = tpu.memref_squeeze %dma_start3A_542 : memref<1x50x128xf32, #tpu.memory_space<vmem>> -> memref<50x128xf32, #tpu.memory_space<vmem>>
      %dma_start3A_544 = arith.constant 0 : i32
      %dma_start3A_545 = arith.constant 0 : i32
      %dma_start3A_546 = tpu.memref_slice %arg4[%add3A_538, %dma_start3A_544, %dma_start3A_545] : memref<4096x50x128xf32, #tpu.memory_space<hbm>> -> memref<1x50x128xf32, #tpu.memory_space<hbm>>
      %dma_start3A_547 = tpu.memref_squeeze %dma_start3A_546 : memref<1x50x128xf32, #tpu.memory_space<hbm>> -> memref<50x128xf32, #tpu.memory_space<hbm>>
      %dma_start3A_548 = arith.constant 0 : i32
      %dma_start3A_549 = arith.constant 0 : i32
      %dma_start3A_550 = tpu.memref_slice %arg4[%add3A_538, %dma_start3A_548, %dma_start3A_549] : memref<4096x50x128xf32, #tpu.memory_space<hbm>> -> memref<1x50x128xf32, #tpu.memory_space<hbm>>
      %dma_start3A_551 = tpu.memref_squeeze %dma_start3A_550 : memref<1x50x128xf32, #tpu.memory_space<hbm>> -> memref<50x128xf32, #tpu.memory_space<hbm>>
      %dma_start3A_552 = arith.constant 0 : i32
      %dma_start3A_553 = arith.constant 0 : i32
      %dma_start3A_554 = tpu.memref_slice %arg6[%dma_start3A_539, %dma_start3A_552, %dma_start3A_553] : memref<8x100x128xf32, #tpu.memory_space<vmem>> -> memref<1x50x128xf32, #tpu.memory_space<vmem>>
      %dma_start3A_555 = tpu.memref_squeeze %dma_start3A_554 : memref<1x50x128xf32, #tpu.memory_space<vmem>> -> memref<50x128xf32, #tpu.memory_space<vmem>>
      tpu.enqueue_dma source(%dma_start3A_555 : memref<50x128xf32, #tpu.memory_space<vmem>>) target(%dma_start3A_551 : memref<50x128xf32, #tpu.memory_space<hbm>>) target_semaphore(%arg16 : memref<!tpu.dma_semaphore, #tpu.memory_space<semaphore_mem>>)
      %add3A_556 = arith.addi %mul3A_2, %add3A_504 : i32
      %mul3A_557 = arith.constant 2 : i32
      %mul3A_558 = arith.muli %add3A_556, %mul3A_557 : i32
      %add3A_559 = arith.constant 1 : i32
      %add3A_560 = arith.addi %mul3A_558, %add3A_559 : i32
      %dma_start3A_561 = arith.constant 1 : i32
      %dma_start3A_562 = arith.constant 50 : i32
      %dma_start3A_563 = arith.constant 0 : i32
      %dma_start3A_564 = tpu.memref_slice %arg6[%dma_start3A_561, %dma_start3A_562, %dma_start3A_563] : memref<8x100x128xf32, #tpu.memory_space<vmem>> -> memref<1x50x128xf32, #tpu.memory_space<vmem>>
      %dma_start3A_565 = tpu.memref_squeeze %dma_start3A_564 : memref<1x50x128xf32, #tpu.memory_space<vmem>> -> memref<50x128xf32, #tpu.memory_space<vmem>>
      %dma_start3A_566 = arith.constant 0 : i32
      %dma_start3A_567 = arith.constant 0 : i32
      %dma_start3A_568 = tpu.memref_slice %arg4[%add3A_560, %dma_start3A_566, %dma_start3A_567] : memref<4096x50x128xf32, #tpu.memory_space<hbm>> -> memref<1x50x128xf32, #tpu.memory_space<hbm>>
      %dma_start3A_569 = tpu.memref_squeeze %dma_start3A_568 : memref<1x50x128xf32, #tpu.memory_space<hbm>> -> memref<50x128xf32, #tpu.memory_space<hbm>>
      %dma_start3A_570 = arith.constant 0 : i32
      %dma_start3A_571 = arith.constant 0 : i32
      %dma_start3A_572 = tpu.memref_slice %arg4[%add3A_560, %dma_start3A_570, %dma_start3A_571] : memref<4096x50x128xf32, #tpu.memory_space<hbm>> -> memref<1x50x128xf32, #tpu.memory_space<hbm>>
      %dma_start3A_573 = tpu.memref_squeeze %dma_start3A_572 : memref<1x50x128xf32, #tpu.memory_space<hbm>> -> memref<50x128xf32, #tpu.memory_space<hbm>>
      %dma_start3A_574 = arith.constant 50 : i32
      %dma_start3A_575 = arith.constant 0 : i32
      %dma_start3A_576 = tpu.memref_slice %arg6[%dma_start3A_561, %dma_start3A_574, %dma_start3A_575] : memref<8x100x128xf32, #tpu.memory_space<vmem>> -> memref<1x50x128xf32, #tpu.memory_space<vmem>>
      %dma_start3A_577 = tpu.memref_squeeze %dma_start3A_576 : memref<1x50x128xf32, #tpu.memory_space<vmem>> -> memref<50x128xf32, #tpu.memory_space<vmem>>
      tpu.enqueue_dma source(%dma_start3A_577 : memref<50x128xf32, #tpu.memory_space<vmem>>) target(%dma_start3A_573 : memref<50x128xf32, #tpu.memory_space<hbm>>) target_semaphore(%arg16 : memref<!tpu.dma_semaphore, #tpu.memory_space<semaphore_mem>>)
      %mul3A_578 = arith.constant 4 : i32
      %mul3A_579 = arith.muli %add3A_426, %mul3A_578 : i32
      %add3A_580 = arith.constant 2 : i32
      %add3A_581 = arith.addi %mul3A_579, %add3A_580 : i32
      %dma_wait3A_582 = arith.constant 2 : i32
      %dma_wait3A_583 = arith.constant 0 : i32
      %dma_wait3A_584 = arith.constant 0 : i32
      %dma_wait3A_585 = tpu.memref_slice %arg6[%dma_wait3A_582, %dma_wait3A_583, %dma_wait3A_584] : memref<8x100x128xf32, #tpu.memory_space<vmem>> -> memref<1x100x128xf32, #tpu.memory_space<vmem>>
      %dma_wait3A_586 = tpu.memref_squeeze %dma_wait3A_585 : memref<1x100x128xf32, #tpu.memory_space<vmem>> -> memref<100x128xf32, #tpu.memory_space<vmem>>
      %dma_wait3A_587 = arith.constant 0 : i32
      %dma_wait3A_588 = tpu.memref_slice %arg5[%add3A_581, %dma_wait3A_587] : memref<64x100xi32, #tpu.memory_space<vmem>> -> memref<1x100xi32, #tpu.memory_space<vmem>>
      %dma_wait3A_589 = tpu.memref_squeeze %dma_wait3A_588 : memref<1x100xi32, #tpu.memory_space<vmem>> -> memref<100xi32, #tpu.memory_space<vmem>>
      %dma_wait3A_590 = arith.constant 0 : i32
      %dma_wait3A_591 = arith.constant 0 : i32
      %dma_wait3A_592 = tpu.memref_slice %arg2[%dma_wait3A_590, %dma_wait3A_591] : memref<100001x128xf32, #tpu.memory_space<hbm>> -> memref<100001x128xf32, #tpu.memory_space<hbm>>
      tpu.wait_indirect_dma semaphore(%arg9 : memref<!tpu.dma_semaphore, #tpu.memory_space<semaphore_mem>>) src(%dma_wait3A_592 : memref<100001x128xf32, #tpu.memory_space<hbm>>) dst(%dma_wait3A_586 : memref<100x128xf32, #tpu.memory_space<vmem>>)
      %gt3A_593 = arith.constant 0 : i32
      %gt3A_594 = arith.cmpi sgt, %scan3A_422, %gt3A_593 : i32
      %convert_element_type3A_595 = arith.extui %gt3A_594 : i1 to i32
      %cond3A_596 = arith.constant 0 : i32
      %cond3A_597 = arith.cmpi ne, %convert_element_type3A_595, %cond3A_596 : i32
      scf.if %cond3A_597 {
        %sub3A = arith.constant 4 : i32
        %sub3A_991 = arith.subi %add3A_581, %sub3A : i32
        %add3A_992 = arith.addi %mul3A_2, %sub3A_991 : i32
        %mul3A_993 = arith.constant 2 : i32
        %mul3A_994 = arith.muli %add3A_992, %mul3A_993 : i32
        %add3A_995 = arith.constant 0 : i32
        %add3A_996 = arith.addi %mul3A_994, %add3A_995 : i32
        %dma_wait3A_997 = arith.constant 6 : i32
        %dma_wait3A_998 = arith.constant 0 : i32
        %dma_wait3A_999 = arith.constant 0 : i32
        %dma_wait3A_1000 = tpu.memref_slice %arg6[%dma_wait3A_997, %dma_wait3A_998, %dma_wait3A_999] : memref<8x100x128xf32, #tpu.memory_space<vmem>> -> memref<1x50x128xf32, #tpu.memory_space<vmem>>
        %dma_wait3A_1001 = tpu.memref_squeeze %dma_wait3A_1000 : memref<1x50x128xf32, #tpu.memory_space<vmem>> -> memref<50x128xf32, #tpu.memory_space<vmem>>
        %dma_wait3A_1002 = arith.constant 0 : i32
        %dma_wait3A_1003 = arith.constant 0 : i32
        %dma_wait3A_1004 = tpu.memref_slice %arg4[%add3A_996, %dma_wait3A_1002, %dma_wait3A_1003] : memref<4096x50x128xf32, #tpu.memory_space<hbm>> -> memref<1x50x128xf32, #tpu.memory_space<hbm>>
        %dma_wait3A_1005 = tpu.memref_squeeze %dma_wait3A_1004 : memref<1x50x128xf32, #tpu.memory_space<hbm>> -> memref<50x128xf32, #tpu.memory_space<hbm>>
        %dma_wait3A_1006 = arith.constant 0 : i32
        %dma_wait3A_1007 = arith.constant 0 : i32
        %dma_wait3A_1008 = tpu.memref_slice %arg4[%add3A_996, %dma_wait3A_1006, %dma_wait3A_1007] : memref<4096x50x128xf32, #tpu.memory_space<hbm>> -> memref<1x50x128xf32, #tpu.memory_space<hbm>>
        %dma_wait3A_1009 = tpu.memref_squeeze %dma_wait3A_1008 : memref<1x50x128xf32, #tpu.memory_space<hbm>> -> memref<50x128xf32, #tpu.memory_space<hbm>>
        %dma_wait3A_1010 = arith.constant 0 : i32
        %dma_wait3A_1011 = arith.constant 0 : i32
        %dma_wait3A_1012 = tpu.memref_slice %arg6[%dma_wait3A_997, %dma_wait3A_1010, %dma_wait3A_1011] : memref<8x100x128xf32, #tpu.memory_space<vmem>> -> memref<1x50x128xf32, #tpu.memory_space<vmem>>
        %dma_wait3A_1013 = tpu.memref_squeeze %dma_wait3A_1012 : memref<1x50x128xf32, #tpu.memory_space<vmem>> -> memref<50x128xf32, #tpu.memory_space<vmem>>
        tpu.wait_dma2 semaphore(%arg21 : memref<!tpu.dma_semaphore, #tpu.memory_space<semaphore_mem>>) src(%dma_wait3A_1013 : memref<50x128xf32, #tpu.memory_space<vmem>>) dst(%dma_wait3A_1009 : memref<50x128xf32, #tpu.memory_space<hbm>>)
        %add3A_1014 = arith.addi %mul3A_2, %sub3A_991 : i32
        %mul3A_1015 = arith.constant 2 : i32
        %mul3A_1016 = arith.muli %add3A_1014, %mul3A_1015 : i32
        %add3A_1017 = arith.constant 1 : i32
        %add3A_1018 = arith.addi %mul3A_1016, %add3A_1017 : i32
        %dma_wait3A_1019 = arith.constant 6 : i32
        %dma_wait3A_1020 = arith.constant 50 : i32
        %dma_wait3A_1021 = arith.constant 0 : i32
        %dma_wait3A_1022 = tpu.memref_slice %arg6[%dma_wait3A_1019, %dma_wait3A_1020, %dma_wait3A_1021] : memref<8x100x128xf32, #tpu.memory_space<vmem>> -> memref<1x50x128xf32, #tpu.memory_space<vmem>>
        %dma_wait3A_1023 = tpu.memref_squeeze %dma_wait3A_1022 : memref<1x50x128xf32, #tpu.memory_space<vmem>> -> memref<50x128xf32, #tpu.memory_space<vmem>>
        %dma_wait3A_1024 = arith.constant 0 : i32
        %dma_wait3A_1025 = arith.constant 0 : i32
        %dma_wait3A_1026 = tpu.memref_slice %arg4[%add3A_1018, %dma_wait3A_1024, %dma_wait3A_1025] : memref<4096x50x128xf32, #tpu.memory_space<hbm>> -> memref<1x50x128xf32, #tpu.memory_space<hbm>>
        %dma_wait3A_1027 = tpu.memref_squeeze %dma_wait3A_1026 : memref<1x50x128xf32, #tpu.memory_space<hbm>> -> memref<50x128xf32, #tpu.memory_space<hbm>>
        %dma_wait3A_1028 = arith.constant 0 : i32
        %dma_wait3A_1029 = arith.constant 0 : i32
        %dma_wait3A_1030 = tpu.memref_slice %arg4[%add3A_1018, %dma_wait3A_1028, %dma_wait3A_1029] : memref<4096x50x128xf32, #tpu.memory_space<hbm>> -> memref<1x50x128xf32, #tpu.memory_space<hbm>>
        %dma_wait3A_1031 = tpu.memref_squeeze %dma_wait3A_1030 : memref<1x50x128xf32, #tpu.memory_space<hbm>> -> memref<50x128xf32, #tpu.memory_space<hbm>>
        %dma_wait3A_1032 = arith.constant 50 : i32
        %dma_wait3A_1033 = arith.constant 0 : i32
        %dma_wait3A_1034 = tpu.memref_slice %arg6[%dma_wait3A_1019, %dma_wait3A_1032, %dma_wait3A_1033] : memref<8x100x128xf32, #tpu.memory_space<vmem>> -> memref<1x50x128xf32, #tpu.memory_space<vmem>>
        %dma_wait3A_1035 = tpu.memref_squeeze %dma_wait3A_1034 : memref<1x50x128xf32, #tpu.memory_space<vmem>> -> memref<50x128xf32, #tpu.memory_space<vmem>>
        tpu.wait_dma2 semaphore(%arg21 : memref<!tpu.dma_semaphore, #tpu.memory_space<semaphore_mem>>) src(%dma_wait3A_1035 : memref<50x128xf32, #tpu.memory_space<vmem>>) dst(%dma_wait3A_1031 : memref<50x128xf32, #tpu.memory_space<hbm>>)
      } else {
      }
      %add3A_598 = arith.constant 4 : i32
      %add3A_599 = arith.addi %add3A_581, %add3A_598 : i32
      %dma_start3A_600 = arith.constant 6 : i32
      %dma_start3A_601 = arith.constant 0 : i32
      %dma_start3A_602 = arith.constant 0 : i32
      %dma_start3A_603 = tpu.memref_slice %arg6[%dma_start3A_600, %dma_start3A_601, %dma_start3A_602] : memref<8x100x128xf32, #tpu.memory_space<vmem>> -> memref<1x100x128xf32, #tpu.memory_space<vmem>>
      %dma_start3A_604 = tpu.memref_squeeze %dma_start3A_603 : memref<1x100x128xf32, #tpu.memory_space<vmem>> -> memref<100x128xf32, #tpu.memory_space<vmem>>
      %dma_start3A_605 = arith.constant 0 : i32
      %dma_start3A_606 = tpu.memref_slice %arg5[%add3A_599, %dma_start3A_605] : memref<64x100xi32, #tpu.memory_space<vmem>> -> memref<1x100xi32, #tpu.memory_space<vmem>>
      %dma_start3A_607 = tpu.memref_squeeze %dma_start3A_606 : memref<1x100xi32, #tpu.memory_space<vmem>> -> memref<100xi32, #tpu.memory_space<vmem>>
      %dma_start3A_608 = arith.constant 0 : i32
      %dma_start3A_609 = arith.constant 0 : i32
      %dma_start3A_610 = tpu.memref_slice %arg2[%dma_start3A_608, %dma_start3A_609] : memref<100001x128xf32, #tpu.memory_space<hbm>> -> memref<100001x128xf32, #tpu.memory_space<hbm>>
      tpu.enqueue_indirect_dma source(%dma_start3A_610 : memref<100001x128xf32, #tpu.memory_space<hbm>>) target(%dma_start3A_604 : memref<100x128xf32, #tpu.memory_space<vmem>>) offsets(%dma_start3A_607 : memref<100xi32, #tpu.memory_space<vmem>>) semaphore(%arg13 : memref<!tpu.dma_semaphore, #tpu.memory_space<semaphore_mem>>)
      %add3A_611 = arith.addi %mul3A_2, %add3A_581 : i32
      %mul3A_612 = arith.constant 2 : i32
      %mul3A_613 = arith.muli %add3A_611, %mul3A_612 : i32
      %add3A_614 = arith.constant 0 : i32
      %add3A_615 = arith.addi %mul3A_613, %add3A_614 : i32
      %dma_start3A_616 = arith.constant 2 : i32
      %dma_start3A_617 = arith.constant 0 : i32
      %dma_start3A_618 = arith.constant 0 : i32
      %dma_start3A_619 = tpu.memref_slice %arg6[%dma_start3A_616, %dma_start3A_617, %dma_start3A_618] : memref<8x100x128xf32, #tpu.memory_space<vmem>> -> memref<1x50x128xf32, #tpu.memory_space<vmem>>
      %dma_start3A_620 = tpu.memref_squeeze %dma_start3A_619 : memref<1x50x128xf32, #tpu.memory_space<vmem>> -> memref<50x128xf32, #tpu.memory_space<vmem>>
      %dma_start3A_621 = arith.constant 0 : i32
      %dma_start3A_622 = arith.constant 0 : i32
      %dma_start3A_623 = tpu.memref_slice %arg4[%add3A_615, %dma_start3A_621, %dma_start3A_622] : memref<4096x50x128xf32, #tpu.memory_space<hbm>> -> memref<1x50x128xf32, #tpu.memory_space<hbm>>
      %dma_start3A_624 = tpu.memref_squeeze %dma_start3A_623 : memref<1x50x128xf32, #tpu.memory_space<hbm>> -> memref<50x128xf32, #tpu.memory_space<hbm>>
      %dma_start3A_625 = arith.constant 0 : i32
      %dma_start3A_626 = arith.constant 0 : i32
      %dma_start3A_627 = tpu.memref_slice %arg4[%add3A_615, %dma_start3A_625, %dma_start3A_626] : memref<4096x50x128xf32, #tpu.memory_space<hbm>> -> memref<1x50x128xf32, #tpu.memory_space<hbm>>
      %dma_start3A_628 = tpu.memref_squeeze %dma_start3A_627 : memref<1x50x128xf32, #tpu.memory_space<hbm>> -> memref<50x128xf32, #tpu.memory_space<hbm>>
      %dma_start3A_629 = arith.constant 0 : i32
      %dma_start3A_630 = arith.constant 0 : i32
      %dma_start3A_631 = tpu.memref_slice %arg6[%dma_start3A_616, %dma_start3A_629, %dma_start3A_630] : memref<8x100x128xf32, #tpu.memory_space<vmem>> -> memref<1x50x128xf32, #tpu.memory_space<vmem>>
      %dma_start3A_632 = tpu.memref_squeeze %dma_start3A_631 : memref<1x50x128xf32, #tpu.memory_space<vmem>> -> memref<50x128xf32, #tpu.memory_space<vmem>>
      tpu.enqueue_dma source(%dma_start3A_632 : memref<50x128xf32, #tpu.memory_space<vmem>>) target(%dma_start3A_628 : memref<50x128xf32, #tpu.memory_space<hbm>>) target_semaphore(%arg17 : memref<!tpu.dma_semaphore, #tpu.memory_space<semaphore_mem>>)
      %add3A_633 = arith.addi %mul3A_2, %add3A_581 : i32
      %mul3A_634 = arith.constant 2 : i32
      %mul3A_635 = arith.muli %add3A_633, %mul3A_634 : i32
      %add3A_636 = arith.constant 1 : i32
      %add3A_637 = arith.addi %mul3A_635, %add3A_636 : i32
      %dma_start3A_638 = arith.constant 2 : i32
      %dma_start3A_639 = arith.constant 50 : i32
      %dma_start3A_640 = arith.constant 0 : i32
      %dma_start3A_641 = tpu.memref_slice %arg6[%dma_start3A_638, %dma_start3A_639, %dma_start3A_640] : memref<8x100x128xf32, #tpu.memory_space<vmem>> -> memref<1x50x128xf32, #tpu.memory_space<vmem>>
      %dma_start3A_642 = tpu.memref_squeeze %dma_start3A_641 : memref<1x50x128xf32, #tpu.memory_space<vmem>> -> memref<50x128xf32, #tpu.memory_space<vmem>>
      %dma_start3A_643 = arith.constant 0 : i32
      %dma_start3A_644 = arith.constant 0 : i32
      %dma_start3A_645 = tpu.memref_slice %arg4[%add3A_637, %dma_start3A_643, %dma_start3A_644] : memref<4096x50x128xf32, #tpu.memory_space<hbm>> -> memref<1x50x128xf32, #tpu.memory_space<hbm>>
      %dma_start3A_646 = tpu.memref_squeeze %dma_start3A_645 : memref<1x50x128xf32, #tpu.memory_space<hbm>> -> memref<50x128xf32, #tpu.memory_space<hbm>>
      %dma_start3A_647 = arith.constant 0 : i32
      %dma_start3A_648 = arith.constant 0 : i32
      %dma_start3A_649 = tpu.memref_slice %arg4[%add3A_637, %dma_start3A_647, %dma_start3A_648] : memref<4096x50x128xf32, #tpu.memory_space<hbm>> -> memref<1x50x128xf32, #tpu.memory_space<hbm>>
      %dma_start3A_650 = tpu.memref_squeeze %dma_start3A_649 : memref<1x50x128xf32, #tpu.memory_space<hbm>> -> memref<50x128xf32, #tpu.memory_space<hbm>>
      %dma_start3A_651 = arith.constant 50 : i32
      %dma_start3A_652 = arith.constant 0 : i32
      %dma_start3A_653 = tpu.memref_slice %arg6[%dma_start3A_638, %dma_start3A_651, %dma_start3A_652] : memref<8x100x128xf32, #tpu.memory_space<vmem>> -> memref<1x50x128xf32, #tpu.memory_space<vmem>>
      %dma_start3A_654 = tpu.memref_squeeze %dma_start3A_653 : memref<1x50x128xf32, #tpu.memory_space<vmem>> -> memref<50x128xf32, #tpu.memory_space<vmem>>
      tpu.enqueue_dma source(%dma_start3A_654 : memref<50x128xf32, #tpu.memory_space<vmem>>) target(%dma_start3A_650 : memref<50x128xf32, #tpu.memory_space<hbm>>) target_semaphore(%arg17 : memref<!tpu.dma_semaphore, #tpu.memory_space<semaphore_mem>>)
      %mul3A_655 = arith.constant 4 : i32
      %mul3A_656 = arith.muli %add3A_426, %mul3A_655 : i32
      %add3A_657 = arith.constant 3 : i32
      %add3A_658 = arith.addi %mul3A_656, %add3A_657 : i32
      %dma_wait3A_659 = arith.constant 3 : i32
      %dma_wait3A_660 = arith.constant 0 : i32
      %dma_wait3A_661 = arith.constant 0 : i32
      %dma_wait3A_662 = tpu.memref_slice %arg6[%dma_wait3A_659, %dma_wait3A_660, %dma_wait3A_661] : memref<8x100x128xf32, #tpu.memory_space<vmem>> -> memref<1x100x128xf32, #tpu.memory_space<vmem>>
      %dma_wait3A_663 = tpu.memref_squeeze %dma_wait3A_662 : memref<1x100x128xf32, #tpu.memory_space<vmem>> -> memref<100x128xf32, #tpu.memory_space<vmem>>
      %dma_wait3A_664 = arith.constant 0 : i32
      %dma_wait3A_665 = tpu.memref_slice %arg5[%add3A_658, %dma_wait3A_664] : memref<64x100xi32, #tpu.memory_space<vmem>> -> memref<1x100xi32, #tpu.memory_space<vmem>>
      %dma_wait3A_666 = tpu.memref_squeeze %dma_wait3A_665 : memref<1x100xi32, #tpu.memory_space<vmem>> -> memref<100xi32, #tpu.memory_space<vmem>>
      %dma_wait3A_667 = arith.constant 0 : i32
      %dma_wait3A_668 = arith.constant 0 : i32
      %dma_wait3A_669 = tpu.memref_slice %arg2[%dma_wait3A_667, %dma_wait3A_668] : memref<100001x128xf32, #tpu.memory_space<hbm>> -> memref<100001x128xf32, #tpu.memory_space<hbm>>
      tpu.wait_indirect_dma semaphore(%arg10 : memref<!tpu.dma_semaphore, #tpu.memory_space<semaphore_mem>>) src(%dma_wait3A_669 : memref<100001x128xf32, #tpu.memory_space<hbm>>) dst(%dma_wait3A_663 : memref<100x128xf32, #tpu.memory_space<vmem>>)
      %gt3A_670 = arith.constant 0 : i32
      %gt3A_671 = arith.cmpi sgt, %scan3A_422, %gt3A_670 : i32
      %convert_element_type3A_672 = arith.extui %gt3A_671 : i1 to i32
      %cond3A_673 = arith.constant 0 : i32
      %cond3A_674 = arith.cmpi ne, %convert_element_type3A_672, %cond3A_673 : i32
      scf.if %cond3A_674 {
        %sub3A = arith.constant 4 : i32
        %sub3A_991 = arith.subi %add3A_658, %sub3A : i32
        %add3A_992 = arith.addi %mul3A_2, %sub3A_991 : i32
        %mul3A_993 = arith.constant 2 : i32
        %mul3A_994 = arith.muli %add3A_992, %mul3A_993 : i32
        %add3A_995 = arith.constant 0 : i32
        %add3A_996 = arith.addi %mul3A_994, %add3A_995 : i32
        %dma_wait3A_997 = arith.constant 7 : i32
        %dma_wait3A_998 = arith.constant 0 : i32
        %dma_wait3A_999 = arith.constant 0 : i32
        %dma_wait3A_1000 = tpu.memref_slice %arg6[%dma_wait3A_997, %dma_wait3A_998, %dma_wait3A_999] : memref<8x100x128xf32, #tpu.memory_space<vmem>> -> memref<1x50x128xf32, #tpu.memory_space<vmem>>
        %dma_wait3A_1001 = tpu.memref_squeeze %dma_wait3A_1000 : memref<1x50x128xf32, #tpu.memory_space<vmem>> -> memref<50x128xf32, #tpu.memory_space<vmem>>
        %dma_wait3A_1002 = arith.constant 0 : i32
        %dma_wait3A_1003 = arith.constant 0 : i32
        %dma_wait3A_1004 = tpu.memref_slice %arg4[%add3A_996, %dma_wait3A_1002, %dma_wait3A_1003] : memref<4096x50x128xf32, #tpu.memory_space<hbm>> -> memref<1x50x128xf32, #tpu.memory_space<hbm>>
        %dma_wait3A_1005 = tpu.memref_squeeze %dma_wait3A_1004 : memref<1x50x128xf32, #tpu.memory_space<hbm>> -> memref<50x128xf32, #tpu.memory_space<hbm>>
        %dma_wait3A_1006 = arith.constant 0 : i32
        %dma_wait3A_1007 = arith.constant 0 : i32
        %dma_wait3A_1008 = tpu.memref_slice %arg4[%add3A_996, %dma_wait3A_1006, %dma_wait3A_1007] : memref<4096x50x128xf32, #tpu.memory_space<hbm>> -> memref<1x50x128xf32, #tpu.memory_space<hbm>>
        %dma_wait3A_1009 = tpu.memref_squeeze %dma_wait3A_1008 : memref<1x50x128xf32, #tpu.memory_space<hbm>> -> memref<50x128xf32, #tpu.memory_space<hbm>>
        %dma_wait3A_1010 = arith.constant 0 : i32
        %dma_wait3A_1011 = arith.constant 0 : i32
        %dma_wait3A_1012 = tpu.memref_slice %arg6[%dma_wait3A_997, %dma_wait3A_1010, %dma_wait3A_1011] : memref<8x100x128xf32, #tpu.memory_space<vmem>> -> memref<1x50x128xf32, #tpu.memory_space<vmem>>
        %dma_wait3A_1013 = tpu.memref_squeeze %dma_wait3A_1012 : memref<1x50x128xf32, #tpu.memory_space<vmem>> -> memref<50x128xf32, #tpu.memory_space<vmem>>
        tpu.wait_dma2 semaphore(%arg22 : memref<!tpu.dma_semaphore, #tpu.memory_space<semaphore_mem>>) src(%dma_wait3A_1013 : memref<50x128xf32, #tpu.memory_space<vmem>>) dst(%dma_wait3A_1009 : memref<50x128xf32, #tpu.memory_space<hbm>>)
        %add3A_1014 = arith.addi %mul3A_2, %sub3A_991 : i32
        %mul3A_1015 = arith.constant 2 : i32
        %mul3A_1016 = arith.muli %add3A_1014, %mul3A_1015 : i32
        %add3A_1017 = arith.constant 1 : i32
        %add3A_1018 = arith.addi %mul3A_1016, %add3A_1017 : i32
        %dma_wait3A_1019 = arith.constant 7 : i32
        %dma_wait3A_1020 = arith.constant 50 : i32
        %dma_wait3A_1021 = arith.constant 0 : i32
        %dma_wait3A_1022 = tpu.memref_slice %arg6[%dma_wait3A_1019, %dma_wait3A_1020, %dma_wait3A_1021] : memref<8x100x128xf32, #tpu.memory_space<vmem>> -> memref<1x50x128xf32, #tpu.memory_space<vmem>>
        %dma_wait3A_1023 = tpu.memref_squeeze %dma_wait3A_1022 : memref<1x50x128xf32, #tpu.memory_space<vmem>> -> memref<50x128xf32, #tpu.memory_space<vmem>>
        %dma_wait3A_1024 = arith.constant 0 : i32
        %dma_wait3A_1025 = arith.constant 0 : i32
        %dma_wait3A_1026 = tpu.memref_slice %arg4[%add3A_1018, %dma_wait3A_1024, %dma_wait3A_1025] : memref<4096x50x128xf32, #tpu.memory_space<hbm>> -> memref<1x50x128xf32, #tpu.memory_space<hbm>>
        %dma_wait3A_1027 = tpu.memref_squeeze %dma_wait3A_1026 : memref<1x50x128xf32, #tpu.memory_space<hbm>> -> memref<50x128xf32, #tpu.memory_space<hbm>>
        %dma_wait3A_1028 = arith.constant 0 : i32
        %dma_wait3A_1029 = arith.constant 0 : i32
        %dma_wait3A_1030 = tpu.memref_slice %arg4[%add3A_1018, %dma_wait3A_1028, %dma_wait3A_1029] : memref<4096x50x128xf32, #tpu.memory_space<hbm>> -> memref<1x50x128xf32, #tpu.memory_space<hbm>>
        %dma_wait3A_1031 = tpu.memref_squeeze %dma_wait3A_1030 : memref<1x50x128xf32, #tpu.memory_space<hbm>> -> memref<50x128xf32, #tpu.memory_space<hbm>>
        %dma_wait3A_1032 = arith.constant 50 : i32
        %dma_wait3A_1033 = arith.constant 0 : i32
        %dma_wait3A_1034 = tpu.memref_slice %arg6[%dma_wait3A_1019, %dma_wait3A_1032, %dma_wait3A_1033] : memref<8x100x128xf32, #tpu.memory_space<vmem>> -> memref<1x50x128xf32, #tpu.memory_space<vmem>>
        %dma_wait3A_1035 = tpu.memref_squeeze %dma_wait3A_1034 : memref<1x50x128xf32, #tpu.memory_space<vmem>> -> memref<50x128xf32, #tpu.memory_space<vmem>>
        tpu.wait_dma2 semaphore(%arg22 : memref<!tpu.dma_semaphore, #tpu.memory_space<semaphore_mem>>) src(%dma_wait3A_1035 : memref<50x128xf32, #tpu.memory_space<vmem>>) dst(%dma_wait3A_1031 : memref<50x128xf32, #tpu.memory_space<hbm>>)
      } else {
      }
      %add3A_675 = arith.constant 4 : i32
      %add3A_676 = arith.addi %add3A_658, %add3A_675 : i32
      %dma_start3A_677 = arith.constant 7 : i32
      %dma_start3A_678 = arith.constant 0 : i32
      %dma_start3A_679 = arith.constant 0 : i32
      %dma_start3A_680 = tpu.memref_slice %arg6[%dma_start3A_677, %dma_start3A_678, %dma_start3A_679] : memref<8x100x128xf32, #tpu.memory_space<vmem>> -> memref<1x100x128xf32, #tpu.memory_space<vmem>>
      %dma_start3A_681 = tpu.memref_squeeze %dma_start3A_680 : memref<1x100x128xf32, #tpu.memory_space<vmem>> -> memref<100x128xf32, #tpu.memory_space<vmem>>
      %dma_start3A_682 = arith.constant 0 : i32
      %dma_start3A_683 = tpu.memref_slice %arg5[%add3A_676, %dma_start3A_682] : memref<64x100xi32, #tpu.memory_space<vmem>> -> memref<1x100xi32, #tpu.memory_space<vmem>>
      %dma_start3A_684 = tpu.memref_squeeze %dma_start3A_683 : memref<1x100xi32, #tpu.memory_space<vmem>> -> memref<100xi32, #tpu.memory_space<vmem>>
      %dma_start3A_685 = arith.constant 0 : i32
      %dma_start3A_686 = arith.constant 0 : i32
      %dma_start3A_687 = tpu.memref_slice %arg2[%dma_start3A_685, %dma_start3A_686] : memref<100001x128xf32, #tpu.memory_space<hbm>> -> memref<100001x128xf32, #tpu.memory_space<hbm>>
      tpu.enqueue_indirect_dma source(%dma_start3A_687 : memref<100001x128xf32, #tpu.memory_space<hbm>>) target(%dma_start3A_681 : memref<100x128xf32, #tpu.memory_space<vmem>>) offsets(%dma_start3A_684 : memref<100xi32, #tpu.memory_space<vmem>>) semaphore(%arg14 : memref<!tpu.dma_semaphore, #tpu.memory_space<semaphore_mem>>)
      %add3A_688 = arith.addi %mul3A_2, %add3A_658 : i32
      %mul3A_689 = arith.constant 2 : i32
      %mul3A_690 = arith.muli %add3A_688, %mul3A_689 : i32
      %add3A_691 = arith.constant 0 : i32
      %add3A_692 = arith.addi %mul3A_690, %add3A_691 : i32
      %dma_start3A_693 = arith.constant 3 : i32
      %dma_start3A_694 = arith.constant 0 : i32
      %dma_start3A_695 = arith.constant 0 : i32
      %dma_start3A_696 = tpu.memref_slice %arg6[%dma_start3A_693, %dma_start3A_694, %dma_start3A_695] : memref<8x100x128xf32, #tpu.memory_space<vmem>> -> memref<1x50x128xf32, #tpu.memory_space<vmem>>
      %dma_start3A_697 = tpu.memref_squeeze %dma_start3A_696 : memref<1x50x128xf32, #tpu.memory_space<vmem>> -> memref<50x128xf32, #tpu.memory_space<vmem>>
      %dma_start3A_698 = arith.constant 0 : i32
      %dma_start3A_699 = arith.constant 0 : i32
      %dma_start3A_700 = tpu.memref_slice %arg4[%add3A_692, %dma_start3A_698, %dma_start3A_699] : memref<4096x50x128xf32, #tpu.memory_space<hbm>> -> memref<1x50x128xf32, #tpu.memory_space<hbm>>
      %dma_start3A_701 = tpu.memref_squeeze %dma_start3A_700 : memref<1x50x128xf32, #tpu.memory_space<hbm>> -> memref<50x128xf32, #tpu.memory_space<hbm>>
      %dma_start3A_702 = arith.constant 0 : i32
      %dma_start3A_703 = arith.constant 0 : i32
      %dma_start3A_704 = tpu.memref_slice %arg4[%add3A_692, %dma_start3A_702, %dma_start3A_703] : memref<4096x50x128xf32, #tpu.memory_space<hbm>> -> memref<1x50x128xf32, #tpu.memory_space<hbm>>
      %dma_start3A_705 = tpu.memref_squeeze %dma_start3A_704 : memref<1x50x128xf32, #tpu.memory_space<hbm>> -> memref<50x128xf32, #tpu.memory_space<hbm>>
      %dma_start3A_706 = arith.constant 0 : i32
      %dma_start3A_707 = arith.constant 0 : i32
      %dma_start3A_708 = tpu.memref_slice %arg6[%dma_start3A_693, %dma_start3A_706, %dma_start3A_707] : memref<8x100x128xf32, #tpu.memory_space<vmem>> -> memref<1x50x128xf32, #tpu.memory_space<vmem>>
      %dma_start3A_709 = tpu.memref_squeeze %dma_start3A_708 : memref<1x50x128xf32, #tpu.memory_space<vmem>> -> memref<50x128xf32, #tpu.memory_space<vmem>>
      tpu.enqueue_dma source(%dma_start3A_709 : memref<50x128xf32, #tpu.memory_space<vmem>>) target(%dma_start3A_705 : memref<50x128xf32, #tpu.memory_space<hbm>>) target_semaphore(%arg18 : memref<!tpu.dma_semaphore, #tpu.memory_space<semaphore_mem>>)
      %add3A_710 = arith.addi %mul3A_2, %add3A_658 : i32
      %mul3A_711 = arith.constant 2 : i32
      %mul3A_712 = arith.muli %add3A_710, %mul3A_711 : i32
      %add3A_713 = arith.constant 1 : i32
      %add3A_714 = arith.addi %mul3A_712, %add3A_713 : i32
      %dma_start3A_715 = arith.constant 3 : i32
      %dma_start3A_716 = arith.constant 50 : i32
      %dma_start3A_717 = arith.constant 0 : i32
      %dma_start3A_718 = tpu.memref_slice %arg6[%dma_start3A_715, %dma_start3A_716, %dma_start3A_717] : memref<8x100x128xf32, #tpu.memory_space<vmem>> -> memref<1x50x128xf32, #tpu.memory_space<vmem>>
      %dma_start3A_719 = tpu.memref_squeeze %dma_start3A_718 : memref<1x50x128xf32, #tpu.memory_space<vmem>> -> memref<50x128xf32, #tpu.memory_space<vmem>>
      %dma_start3A_720 = arith.constant 0 : i32
      %dma_start3A_721 = arith.constant 0 : i32
      %dma_start3A_722 = tpu.memref_slice %arg4[%add3A_714, %dma_start3A_720, %dma_start3A_721] : memref<4096x50x128xf32, #tpu.memory_space<hbm>> -> memref<1x50x128xf32, #tpu.memory_space<hbm>>
      %dma_start3A_723 = tpu.memref_squeeze %dma_start3A_722 : memref<1x50x128xf32, #tpu.memory_space<hbm>> -> memref<50x128xf32, #tpu.memory_space<hbm>>
      %dma_start3A_724 = arith.constant 0 : i32
      %dma_start3A_725 = arith.constant 0 : i32
      %dma_start3A_726 = tpu.memref_slice %arg4[%add3A_714, %dma_start3A_724, %dma_start3A_725] : memref<4096x50x128xf32, #tpu.memory_space<hbm>> -> memref<1x50x128xf32, #tpu.memory_space<hbm>>
      %dma_start3A_727 = tpu.memref_squeeze %dma_start3A_726 : memref<1x50x128xf32, #tpu.memory_space<hbm>> -> memref<50x128xf32, #tpu.memory_space<hbm>>
      %dma_start3A_728 = arith.constant 50 : i32
      %dma_start3A_729 = arith.constant 0 : i32
      %dma_start3A_730 = tpu.memref_slice %arg6[%dma_start3A_715, %dma_start3A_728, %dma_start3A_729] : memref<8x100x128xf32, #tpu.memory_space<vmem>> -> memref<1x50x128xf32, #tpu.memory_space<vmem>>
      %dma_start3A_731 = tpu.memref_squeeze %dma_start3A_730 : memref<1x50x128xf32, #tpu.memory_space<vmem>> -> memref<50x128xf32, #tpu.memory_space<vmem>>
      tpu.enqueue_dma source(%dma_start3A_731 : memref<50x128xf32, #tpu.memory_space<vmem>>) target(%dma_start3A_727 : memref<50x128xf32, #tpu.memory_space<hbm>>) target_semaphore(%arg18 : memref<!tpu.dma_semaphore, #tpu.memory_space<semaphore_mem>>)
      %mul3A_732 = arith.constant 2 : i32
      %mul3A_733 = arith.muli %mul3A_732, %scan3A_422 : i32
      %add3A_734 = arith.constant 1 : i32
      %add3A_735 = arith.addi %mul3A_733, %add3A_734 : i32
      %mul3A_736 = arith.constant 4 : i32
      %mul3A_737 = arith.muli %add3A_735, %mul3A_736 : i32
      %add3A_738 = arith.constant 0 : i32
      %add3A_739 = arith.addi %mul3A_737, %add3A_738 : i32
      %dma_wait3A_740 = arith.constant 4 : i32
      %dma_wait3A_741 = arith.constant 0 : i32
      %dma_wait3A_742 = arith.constant 0 : i32
      %dma_wait3A_743 = tpu.memref_slice %arg6[%dma_wait3A_740, %dma_wait3A_741, %dma_wait3A_742] : memref<8x100x128xf32, #tpu.memory_space<vmem>> -> memref<1x100x128xf32, #tpu.memory_space<vmem>>
      %dma_wait3A_744 = tpu.memref_squeeze %dma_wait3A_743 : memref<1x100x128xf32, #tpu.memory_space<vmem>> -> memref<100x128xf32, #tpu.memory_space<vmem>>
      %dma_wait3A_745 = arith.constant 0 : i32
      %dma_wait3A_746 = tpu.memref_slice %arg5[%add3A_739, %dma_wait3A_745] : memref<64x100xi32, #tpu.memory_space<vmem>> -> memref<1x100xi32, #tpu.memory_space<vmem>>
      %dma_wait3A_747 = tpu.memref_squeeze %dma_wait3A_746 : memref<1x100xi32, #tpu.memory_space<vmem>> -> memref<100xi32, #tpu.memory_space<vmem>>
      %dma_wait3A_748 = arith.constant 0 : i32
      %dma_wait3A_749 = arith.constant 0 : i32
      %dma_wait3A_750 = tpu.memref_slice %arg2[%dma_wait3A_748, %dma_wait3A_749] : memref<100001x128xf32, #tpu.memory_space<hbm>> -> memref<100001x128xf32, #tpu.memory_space<hbm>>
      tpu.wait_indirect_dma semaphore(%arg11 : memref<!tpu.dma_semaphore, #tpu.memory_space<semaphore_mem>>) src(%dma_wait3A_750 : memref<100001x128xf32, #tpu.memory_space<hbm>>) dst(%dma_wait3A_744 : memref<100x128xf32, #tpu.memory_space<vmem>>)
      %lt3A = arith.constant 7 : i32
      %lt3A_751 = arith.cmpi slt, %scan3A_422, %lt3A : i32
      %convert_element_type3A_752 = arith.extui %lt3A_751 : i1 to i32
      %cond3A_753 = arith.constant 0 : i32
      %cond3A_754 = arith.cmpi ne, %convert_element_type3A_752, %cond3A_753 : i32
      scf.if %cond3A_754 {
        %sub3A = arith.constant 4 : i32
        %sub3A_991 = arith.subi %add3A_739, %sub3A : i32
        %add3A_992 = arith.addi %mul3A_2, %sub3A_991 : i32
        %mul3A_993 = arith.constant 2 : i32
        %mul3A_994 = arith.muli %add3A_992, %mul3A_993 : i32
        %add3A_995 = arith.constant 0 : i32
        %add3A_996 = arith.addi %mul3A_994, %add3A_995 : i32
        %dma_wait3A_997 = arith.constant 0 : i32
        %dma_wait3A_998 = arith.constant 0 : i32
        %dma_wait3A_999 = arith.constant 0 : i32
        %dma_wait3A_1000 = tpu.memref_slice %arg6[%dma_wait3A_997, %dma_wait3A_998, %dma_wait3A_999] : memref<8x100x128xf32, #tpu.memory_space<vmem>> -> memref<1x50x128xf32, #tpu.memory_space<vmem>>
        %dma_wait3A_1001 = tpu.memref_squeeze %dma_wait3A_1000 : memref<1x50x128xf32, #tpu.memory_space<vmem>> -> memref<50x128xf32, #tpu.memory_space<vmem>>
        %dma_wait3A_1002 = arith.constant 0 : i32
        %dma_wait3A_1003 = arith.constant 0 : i32
        %dma_wait3A_1004 = tpu.memref_slice %arg4[%add3A_996, %dma_wait3A_1002, %dma_wait3A_1003] : memref<4096x50x128xf32, #tpu.memory_space<hbm>> -> memref<1x50x128xf32, #tpu.memory_space<hbm>>
        %dma_wait3A_1005 = tpu.memref_squeeze %dma_wait3A_1004 : memref<1x50x128xf32, #tpu.memory_space<hbm>> -> memref<50x128xf32, #tpu.memory_space<hbm>>
        %dma_wait3A_1006 = arith.constant 0 : i32
        %dma_wait3A_1007 = arith.constant 0 : i32
        %dma_wait3A_1008 = tpu.memref_slice %arg4[%add3A_996, %dma_wait3A_1006, %dma_wait3A_1007] : memref<4096x50x128xf32, #tpu.memory_space<hbm>> -> memref<1x50x128xf32, #tpu.memory_space<hbm>>
        %dma_wait3A_1009 = tpu.memref_squeeze %dma_wait3A_1008 : memref<1x50x128xf32, #tpu.memory_space<hbm>> -> memref<50x128xf32, #tpu.memory_space<hbm>>
        %dma_wait3A_1010 = arith.constant 0 : i32
        %dma_wait3A_1011 = arith.constant 0 : i32
        %dma_wait3A_1012 = tpu.memref_slice %arg6[%dma_wait3A_997, %dma_wait3A_1010, %dma_wait3A_1011] : memref<8x100x128xf32, #tpu.memory_space<vmem>> -> memref<1x50x128xf32, #tpu.memory_space<vmem>>
        %dma_wait3A_1013 = tpu.memref_squeeze %dma_wait3A_1012 : memref<1x50x128xf32, #tpu.memory_space<vmem>> -> memref<50x128xf32, #tpu.memory_space<vmem>>
        tpu.wait_dma2 semaphore(%arg15 : memref<!tpu.dma_semaphore, #tpu.memory_space<semaphore_mem>>) src(%dma_wait3A_1013 : memref<50x128xf32, #tpu.memory_space<vmem>>) dst(%dma_wait3A_1009 : memref<50x128xf32, #tpu.memory_space<hbm>>)
        %add3A_1014 = arith.addi %mul3A_2, %sub3A_991 : i32
        %mul3A_1015 = arith.constant 2 : i32
        %mul3A_1016 = arith.muli %add3A_1014, %mul3A_1015 : i32
        %add3A_1017 = arith.constant 1 : i32
        %add3A_1018 = arith.addi %mul3A_1016, %add3A_1017 : i32
        %dma_wait3A_1019 = arith.constant 0 : i32
        %dma_wait3A_1020 = arith.constant 50 : i32
        %dma_wait3A_1021 = arith.constant 0 : i32
        %dma_wait3A_1022 = tpu.memref_slice %arg6[%dma_wait3A_1019, %dma_wait3A_1020, %dma_wait3A_1021] : memref<8x100x128xf32, #tpu.memory_space<vmem>> -> memref<1x50x128xf32, #tpu.memory_space<vmem>>
        %dma_wait3A_1023 = tpu.memref_squeeze %dma_wait3A_1022 : memref<1x50x128xf32, #tpu.memory_space<vmem>> -> memref<50x128xf32, #tpu.memory_space<vmem>>
        %dma_wait3A_1024 = arith.constant 0 : i32
        %dma_wait3A_1025 = arith.constant 0 : i32
        %dma_wait3A_1026 = tpu.memref_slice %arg4[%add3A_1018, %dma_wait3A_1024, %dma_wait3A_1025] : memref<4096x50x128xf32, #tpu.memory_space<hbm>> -> memref<1x50x128xf32, #tpu.memory_space<hbm>>
        %dma_wait3A_1027 = tpu.memref_squeeze %dma_wait3A_1026 : memref<1x50x128xf32, #tpu.memory_space<hbm>> -> memref<50x128xf32, #tpu.memory_space<hbm>>
        %dma_wait3A_1028 = arith.constant 0 : i32
        %dma_wait3A_1029 = arith.constant 0 : i32
        %dma_wait3A_1030 = tpu.memref_slice %arg4[%add3A_1018, %dma_wait3A_1028, %dma_wait3A_1029] : memref<4096x50x128xf32, #tpu.memory_space<hbm>> -> memref<1x50x128xf32, #tpu.memory_space<hbm>>
        %dma_wait3A_1031 = tpu.memref_squeeze %dma_wait3A_1030 : memref<1x50x128xf32, #tpu.memory_space<hbm>> -> memref<50x128xf32, #tpu.memory_space<hbm>>
        %dma_wait3A_1032 = arith.constant 50 : i32
        %dma_wait3A_1033 = arith.constant 0 : i32
        %dma_wait3A_1034 = tpu.memref_slice %arg6[%dma_wait3A_1019, %dma_wait3A_1032, %dma_wait3A_1033] : memref<8x100x128xf32, #tpu.memory_space<vmem>> -> memref<1x50x128xf32, #tpu.memory_space<vmem>>
        %dma_wait3A_1035 = tpu.memref_squeeze %dma_wait3A_1034 : memref<1x50x128xf32, #tpu.memory_space<vmem>> -> memref<50x128xf32, #tpu.memory_space<vmem>>
        tpu.wait_dma2 semaphore(%arg15 : memref<!tpu.dma_semaphore, #tpu.memory_space<semaphore_mem>>) src(%dma_wait3A_1035 : memref<50x128xf32, #tpu.memory_space<vmem>>) dst(%dma_wait3A_1031 : memref<50x128xf32, #tpu.memory_space<hbm>>)
        %add3A_1036 = arith.constant 4 : i32
        %add3A_1037 = arith.addi %add3A_739, %add3A_1036 : i32
        %dma_start3A_1038 = arith.constant 0 : i32
        %dma_start3A_1039 = arith.constant 0 : i32
        %dma_start3A_1040 = arith.constant 0 : i32
        %dma_start3A_1041 = tpu.memref_slice %arg6[%dma_start3A_1038, %dma_start3A_1039, %dma_start3A_1040] : memref<8x100x128xf32, #tpu.memory_space<vmem>> -> memref<1x100x128xf32, #tpu.memory_space<vmem>>
        %dma_start3A_1042 = tpu.memref_squeeze %dma_start3A_1041 : memref<1x100x128xf32, #tpu.memory_space<vmem>> -> memref<100x128xf32, #tpu.memory_space<vmem>>
        %dma_start3A_1043 = arith.constant 0 : i32
        %dma_start3A_1044 = tpu.memref_slice %arg5[%add3A_1037, %dma_start3A_1043] : memref<64x100xi32, #tpu.memory_space<vmem>> -> memref<1x100xi32, #tpu.memory_space<vmem>>
        %dma_start3A_1045 = tpu.memref_squeeze %dma_start3A_1044 : memref<1x100xi32, #tpu.memory_space<vmem>> -> memref<100xi32, #tpu.memory_space<vmem>>
        %dma_start3A_1046 = arith.constant 0 : i32
        %dma_start3A_1047 = arith.constant 0 : i32
        %dma_start3A_1048 = tpu.memref_slice %arg2[%dma_start3A_1046, %dma_start3A_1047] : memref<100001x128xf32, #tpu.memory_space<hbm>> -> memref<100001x128xf32, #tpu.memory_space<hbm>>
        tpu.enqueue_indirect_dma source(%dma_start3A_1048 : memref<100001x128xf32, #tpu.memory_space<hbm>>) target(%dma_start3A_1042 : memref<100x128xf32, #tpu.memory_space<vmem>>) offsets(%dma_start3A_1045 : memref<100xi32, #tpu.memory_space<vmem>>) semaphore(%arg7 : memref<!tpu.dma_semaphore, #tpu.memory_space<semaphore_mem>>)
      } else {
      }
      %add3A_755 = arith.addi %mul3A_2, %add3A_739 : i32
      %mul3A_756 = arith.constant 2 : i32
      %mul3A_757 = arith.muli %add3A_755, %mul3A_756 : i32
      %add3A_758 = arith.constant 0 : i32
      %add3A_759 = arith.addi %mul3A_757, %add3A_758 : i32
      %dma_start3A_760 = arith.constant 4 : i32
      %dma_start3A_761 = arith.constant 0 : i32
      %dma_start3A_762 = arith.constant 0 : i32
      %dma_start3A_763 = tpu.memref_slice %arg6[%dma_start3A_760, %dma_start3A_761, %dma_start3A_762] : memref<8x100x128xf32, #tpu.memory_space<vmem>> -> memref<1x50x128xf32, #tpu.memory_space<vmem>>
      %dma_start3A_764 = tpu.memref_squeeze %dma_start3A_763 : memref<1x50x128xf32, #tpu.memory_space<vmem>> -> memref<50x128xf32, #tpu.memory_space<vmem>>
      %dma_start3A_765 = arith.constant 0 : i32
      %dma_start3A_766 = arith.constant 0 : i32
      %dma_start3A_767 = tpu.memref_slice %arg4[%add3A_759, %dma_start3A_765, %dma_start3A_766] : memref<4096x50x128xf32, #tpu.memory_space<hbm>> -> memref<1x50x128xf32, #tpu.memory_space<hbm>>
      %dma_start3A_768 = tpu.memref_squeeze %dma_start3A_767 : memref<1x50x128xf32, #tpu.memory_space<hbm>> -> memref<50x128xf32, #tpu.memory_space<hbm>>
      %dma_start3A_769 = arith.constant 0 : i32
      %dma_start3A_770 = arith.constant 0 : i32
      %dma_start3A_771 = tpu.memref_slice %arg4[%add3A_759, %dma_start3A_769, %dma_start3A_770] : memref<4096x50x128xf32, #tpu.memory_space<hbm>> -> memref<1x50x128xf32, #tpu.memory_space<hbm>>
      %dma_start3A_772 = tpu.memref_squeeze %dma_start3A_771 : memref<1x50x128xf32, #tpu.memory_space<hbm>> -> memref<50x128xf32, #tpu.memory_space<hbm>>
      %dma_start3A_773 = arith.constant 0 : i32
      %dma_start3A_774 = arith.constant 0 : i32
      %dma_start3A_775 = tpu.memref_slice %arg6[%dma_start3A_760, %dma_start3A_773, %dma_start3A_774] : memref<8x100x128xf32, #tpu.memory_space<vmem>> -> memref<1x50x128xf32, #tpu.memory_space<vmem>>
      %dma_start3A_776 = tpu.memref_squeeze %dma_start3A_775 : memref<1x50x128xf32, #tpu.memory_space<vmem>> -> memref<50x128xf32, #tpu.memory_space<vmem>>
      tpu.enqueue_dma source(%dma_start3A_776 : memref<50x128xf32, #tpu.memory_space<vmem>>) target(%dma_start3A_772 : memref<50x128xf32, #tpu.memory_space<hbm>>) target_semaphore(%arg19 : memref<!tpu.dma_semaphore, #tpu.memory_space<semaphore_mem>>)
      %add3A_777 = arith.addi %mul3A_2, %add3A_739 : i32
      %mul3A_778 = arith.constant 2 : i32
      %mul3A_779 = arith.muli %add3A_777, %mul3A_778 : i32
      %add3A_780 = arith.constant 1 : i32
      %add3A_781 = arith.addi %mul3A_779, %add3A_780 : i32
      %dma_start3A_782 = arith.constant 4 : i32
      %dma_start3A_783 = arith.constant 50 : i32
      %dma_start3A_784 = arith.constant 0 : i32
      %dma_start3A_785 = tpu.memref_slice %arg6[%dma_start3A_782, %dma_start3A_783, %dma_start3A_784] : memref<8x100x128xf32, #tpu.memory_space<vmem>> -> memref<1x50x128xf32, #tpu.memory_space<vmem>>
      %dma_start3A_786 = tpu.memref_squeeze %dma_start3A_785 : memref<1x50x128xf32, #tpu.memory_space<vmem>> -> memref<50x128xf32, #tpu.memory_space<vmem>>
      %dma_start3A_787 = arith.constant 0 : i32
      %dma_start3A_788 = arith.constant 0 : i32
      %dma_start3A_789 = tpu.memref_slice %arg4[%add3A_781, %dma_start3A_787, %dma_start3A_788] : memref<4096x50x128xf32, #tpu.memory_space<hbm>> -> memref<1x50x128xf32, #tpu.memory_space<hbm>>
      %dma_start3A_790 = tpu.memref_squeeze %dma_start3A_789 : memref<1x50x128xf32, #tpu.memory_space<hbm>> -> memref<50x128xf32, #tpu.memory_space<hbm>>
      %dma_start3A_791 = arith.constant 0 : i32
      %dma_start3A_792 = arith.constant 0 : i32
      %dma_start3A_793 = tpu.memref_slice %arg4[%add3A_781, %dma_start3A_791, %dma_start3A_792] : memref<4096x50x128xf32, #tpu.memory_space<hbm>> -> memref<1x50x128xf32, #tpu.memory_space<hbm>>
      %dma_start3A_794 = tpu.memref_squeeze %dma_start3A_793 : memref<1x50x128xf32, #tpu.memory_space<hbm>> -> memref<50x128xf32, #tpu.memory_space<hbm>>
      %dma_start3A_795 = arith.constant 50 : i32
      %dma_start3A_796 = arith.constant 0 : i32
      %dma_start3A_797 = tpu.memref_slice %arg6[%dma_start3A_782, %dma_start3A_795, %dma_start3A_796] : memref<8x100x128xf32, #tpu.memory_space<vmem>> -> memref<1x50x128xf32, #tpu.memory_space<vmem>>
      %dma_start3A_798 = tpu.memref_squeeze %dma_start3A_797 : memref<1x50x128xf32, #tpu.memory_space<vmem>> -> memref<50x128xf32, #tpu.memory_space<vmem>>
      tpu.enqueue_dma source(%dma_start3A_798 : memref<50x128xf32, #tpu.memory_space<vmem>>) target(%dma_start3A_794 : memref<50x128xf32, #tpu.memory_space<hbm>>) target_semaphore(%arg19 : memref<!tpu.dma_semaphore, #tpu.memory_space<semaphore_mem>>)
      %mul3A_799 = arith.constant 4 : i32
      %mul3A_800 = arith.muli %add3A_735, %mul3A_799 : i32
      %add3A_801 = arith.constant 1 : i32
      %add3A_802 = arith.addi %mul3A_800, %add3A_801 : i32
      %dma_wait3A_803 = arith.constant 5 : i32
      %dma_wait3A_804 = arith.constant 0 : i32
      %dma_wait3A_805 = arith.constant 0 : i32
      %dma_wait3A_806 = tpu.memref_slice %arg6[%dma_wait3A_803, %dma_wait3A_804, %dma_wait3A_805] : memref<8x100x128xf32, #tpu.memory_space<vmem>> -> memref<1x100x128xf32, #tpu.memory_space<vmem>>
      %dma_wait3A_807 = tpu.memref_squeeze %dma_wait3A_806 : memref<1x100x128xf32, #tpu.memory_space<vmem>> -> memref<100x128xf32, #tpu.memory_space<vmem>>
      %dma_wait3A_808 = arith.constant 0 : i32
      %dma_wait3A_809 = tpu.memref_slice %arg5[%add3A_802, %dma_wait3A_808] : memref<64x100xi32, #tpu.memory_space<vmem>> -> memref<1x100xi32, #tpu.memory_space<vmem>>
      %dma_wait3A_810 = tpu.memref_squeeze %dma_wait3A_809 : memref<1x100xi32, #tpu.memory_space<vmem>> -> memref<100xi32, #tpu.memory_space<vmem>>
      %dma_wait3A_811 = arith.constant 0 : i32
      %dma_wait3A_812 = arith.constant 0 : i32
      %dma_wait3A_813 = tpu.memref_slice %arg2[%dma_wait3A_811, %dma_wait3A_812] : memref<100001x128xf32, #tpu.memory_space<hbm>> -> memref<100001x128xf32, #tpu.memory_space<hbm>>
      tpu.wait_indirect_dma semaphore(%arg12 : memref<!tpu.dma_semaphore, #tpu.memory_space<semaphore_mem>>) src(%dma_wait3A_813 : memref<100001x128xf32, #tpu.memory_space<hbm>>) dst(%dma_wait3A_807 : memref<100x128xf32, #tpu.memory_space<vmem>>)
      %lt3A_814 = arith.constant 7 : i32
      %lt3A_815 = arith.cmpi slt, %scan3A_422, %lt3A_814 : i32
      %convert_element_type3A_816 = arith.extui %lt3A_815 : i1 to i32
      %cond3A_817 = arith.constant 0 : i32
      %cond3A_818 = arith.cmpi ne, %convert_element_type3A_816, %cond3A_817 : i32
      scf.if %cond3A_818 {
        %sub3A = arith.constant 4 : i32
        %sub3A_991 = arith.subi %add3A_802, %sub3A : i32
        %add3A_992 = arith.addi %mul3A_2, %sub3A_991 : i32
        %mul3A_993 = arith.constant 2 : i32
        %mul3A_994 = arith.muli %add3A_992, %mul3A_993 : i32
        %add3A_995 = arith.constant 0 : i32
        %add3A_996 = arith.addi %mul3A_994, %add3A_995 : i32
        %dma_wait3A_997 = arith.constant 1 : i32
        %dma_wait3A_998 = arith.constant 0 : i32
        %dma_wait3A_999 = arith.constant 0 : i32
        %dma_wait3A_1000 = tpu.memref_slice %arg6[%dma_wait3A_997, %dma_wait3A_998, %dma_wait3A_999] : memref<8x100x128xf32, #tpu.memory_space<vmem>> -> memref<1x50x128xf32, #tpu.memory_space<vmem>>
        %dma_wait3A_1001 = tpu.memref_squeeze %dma_wait3A_1000 : memref<1x50x128xf32, #tpu.memory_space<vmem>> -> memref<50x128xf32, #tpu.memory_space<vmem>>
        %dma_wait3A_1002 = arith.constant 0 : i32
        %dma_wait3A_1003 = arith.constant 0 : i32
        %dma_wait3A_1004 = tpu.memref_slice %arg4[%add3A_996, %dma_wait3A_1002, %dma_wait3A_1003] : memref<4096x50x128xf32, #tpu.memory_space<hbm>> -> memref<1x50x128xf32, #tpu.memory_space<hbm>>
        %dma_wait3A_1005 = tpu.memref_squeeze %dma_wait3A_1004 : memref<1x50x128xf32, #tpu.memory_space<hbm>> -> memref<50x128xf32, #tpu.memory_space<hbm>>
        %dma_wait3A_1006 = arith.constant 0 : i32
        %dma_wait3A_1007 = arith.constant 0 : i32
        %dma_wait3A_1008 = tpu.memref_slice %arg4[%add3A_996, %dma_wait3A_1006, %dma_wait3A_1007] : memref<4096x50x128xf32, #tpu.memory_space<hbm>> -> memref<1x50x128xf32, #tpu.memory_space<hbm>>
        %dma_wait3A_1009 = tpu.memref_squeeze %dma_wait3A_1008 : memref<1x50x128xf32, #tpu.memory_space<hbm>> -> memref<50x128xf32, #tpu.memory_space<hbm>>
        %dma_wait3A_1010 = arith.constant 0 : i32
        %dma_wait3A_1011 = arith.constant 0 : i32
        %dma_wait3A_1012 = tpu.memref_slice %arg6[%dma_wait3A_997, %dma_wait3A_1010, %dma_wait3A_1011] : memref<8x100x128xf32, #tpu.memory_space<vmem>> -> memref<1x50x128xf32, #tpu.memory_space<vmem>>
        %dma_wait3A_1013 = tpu.memref_squeeze %dma_wait3A_1012 : memref<1x50x128xf32, #tpu.memory_space<vmem>> -> memref<50x128xf32, #tpu.memory_space<vmem>>
        tpu.wait_dma2 semaphore(%arg16 : memref<!tpu.dma_semaphore, #tpu.memory_space<semaphore_mem>>) src(%dma_wait3A_1013 : memref<50x128xf32, #tpu.memory_space<vmem>>) dst(%dma_wait3A_1009 : memref<50x128xf32, #tpu.memory_space<hbm>>)
        %add3A_1014 = arith.addi %mul3A_2, %sub3A_991 : i32
        %mul3A_1015 = arith.constant 2 : i32
        %mul3A_1016 = arith.muli %add3A_1014, %mul3A_1015 : i32
        %add3A_1017 = arith.constant 1 : i32
        %add3A_1018 = arith.addi %mul3A_1016, %add3A_1017 : i32
        %dma_wait3A_1019 = arith.constant 1 : i32
        %dma_wait3A_1020 = arith.constant 50 : i32
        %dma_wait3A_1021 = arith.constant 0 : i32
        %dma_wait3A_1022 = tpu.memref_slice %arg6[%dma_wait3A_1019, %dma_wait3A_1020, %dma_wait3A_1021] : memref<8x100x128xf32, #tpu.memory_space<vmem>> -> memref<1x50x128xf32, #tpu.memory_space<vmem>>
        %dma_wait3A_1023 = tpu.memref_squeeze %dma_wait3A_1022 : memref<1x50x128xf32, #tpu.memory_space<vmem>> -> memref<50x128xf32, #tpu.memory_space<vmem>>
        %dma_wait3A_1024 = arith.constant 0 : i32
        %dma_wait3A_1025 = arith.constant 0 : i32
        %dma_wait3A_1026 = tpu.memref_slice %arg4[%add3A_1018, %dma_wait3A_1024, %dma_wait3A_1025] : memref<4096x50x128xf32, #tpu.memory_space<hbm>> -> memref<1x50x128xf32, #tpu.memory_space<hbm>>
        %dma_wait3A_1027 = tpu.memref_squeeze %dma_wait3A_1026 : memref<1x50x128xf32, #tpu.memory_space<hbm>> -> memref<50x128xf32, #tpu.memory_space<hbm>>
        %dma_wait3A_1028 = arith.constant 0 : i32
        %dma_wait3A_1029 = arith.constant 0 : i32
        %dma_wait3A_1030 = tpu.memref_slice %arg4[%add3A_1018, %dma_wait3A_1028, %dma_wait3A_1029] : memref<4096x50x128xf32, #tpu.memory_space<hbm>> -> memref<1x50x128xf32, #tpu.memory_space<hbm>>
        %dma_wait3A_1031 = tpu.memref_squeeze %dma_wait3A_1030 : memref<1x50x128xf32, #tpu.memory_space<hbm>> -> memref<50x128xf32, #tpu.memory_space<hbm>>
        %dma_wait3A_1032 = arith.constant 50 : i32
        %dma_wait3A_1033 = arith.constant 0 : i32
        %dma_wait3A_1034 = tpu.memref_slice %arg6[%dma_wait3A_1019, %dma_wait3A_1032, %dma_wait3A_1033] : memref<8x100x128xf32, #tpu.memory_space<vmem>> -> memref<1x50x128xf32, #tpu.memory_space<vmem>>
        %dma_wait3A_1035 = tpu.memref_squeeze %dma_wait3A_1034 : memref<1x50x128xf32, #tpu.memory_space<vmem>> -> memref<50x128xf32, #tpu.memory_space<vmem>>
        tpu.wait_dma2 semaphore(%arg16 : memref<!tpu.dma_semaphore, #tpu.memory_space<semaphore_mem>>) src(%dma_wait3A_1035 : memref<50x128xf32, #tpu.memory_space<vmem>>) dst(%dma_wait3A_1031 : memref<50x128xf32, #tpu.memory_space<hbm>>)
        %add3A_1036 = arith.constant 4 : i32
        %add3A_1037 = arith.addi %add3A_802, %add3A_1036 : i32
        %dma_start3A_1038 = arith.constant 1 : i32
        %dma_start3A_1039 = arith.constant 0 : i32
        %dma_start3A_1040 = arith.constant 0 : i32
        %dma_start3A_1041 = tpu.memref_slice %arg6[%dma_start3A_1038, %dma_start3A_1039, %dma_start3A_1040] : memref<8x100x128xf32, #tpu.memory_space<vmem>> -> memref<1x100x128xf32, #tpu.memory_space<vmem>>
        %dma_start3A_1042 = tpu.memref_squeeze %dma_start3A_1041 : memref<1x100x128xf32, #tpu.memory_space<vmem>> -> memref<100x128xf32, #tpu.memory_space<vmem>>
        %dma_start3A_1043 = arith.constant 0 : i32
        %dma_start3A_1044 = tpu.memref_slice %arg5[%add3A_1037, %dma_start3A_1043] : memref<64x100xi32, #tpu.memory_space<vmem>> -> memref<1x100xi32, #tpu.memory_space<vmem>>
        %dma_start3A_1045 = tpu.memref_squeeze %dma_start3A_1044 : memref<1x100xi32, #tpu.memory_space<vmem>> -> memref<100xi32, #tpu.memory_space<vmem>>
        %dma_start3A_1046 = arith.constant 0 : i32
        %dma_start3A_1047 = arith.constant 0 : i32
        %dma_start3A_1048 = tpu.memref_slice %arg2[%dma_start3A_1046, %dma_start3A_1047] : memref<100001x128xf32, #tpu.memory_space<hbm>> -> memref<100001x128xf32, #tpu.memory_space<hbm>>
        tpu.enqueue_indirect_dma source(%dma_start3A_1048 : memref<100001x128xf32, #tpu.memory_space<hbm>>) target(%dma_start3A_1042 : memref<100x128xf32, #tpu.memory_space<vmem>>) offsets(%dma_start3A_1045 : memref<100xi32, #tpu.memory_space<vmem>>) semaphore(%arg8 : memref<!tpu.dma_semaphore, #tpu.memory_space<semaphore_mem>>)
      } else {
      }
      %add3A_819 = arith.addi %mul3A_2, %add3A_802 : i32
      %mul3A_820 = arith.constant 2 : i32
      %mul3A_821 = arith.muli %add3A_819, %mul3A_820 : i32
      %add3A_822 = arith.constant 0 : i32
      %add3A_823 = arith.addi %mul3A_821, %add3A_822 : i32
      %dma_start3A_824 = arith.constant 5 : i32
      %dma_start3A_825 = arith.constant 0 : i32
      %dma_start3A_826 = arith.constant 0 : i32
      %dma_start3A_827 = tpu.memref_slice %arg6[%dma_start3A_824, %dma_start3A_825, %dma_start3A_826] : memref<8x100x128xf32, #tpu.memory_space<vmem>> -> memref<1x50x128xf32, #tpu.memory_space<vmem>>
      %dma_start3A_828 = tpu.memref_squeeze %dma_start3A_827 : memref<1x50x128xf32, #tpu.memory_space<vmem>> -> memref<50x128xf32, #tpu.memory_space<vmem>>
      %dma_start3A_829 = arith.constant 0 : i32
      %dma_start3A_830 = arith.constant 0 : i32
      %dma_start3A_831 = tpu.memref_slice %arg4[%add3A_823, %dma_start3A_829, %dma_start3A_830] : memref<4096x50x128xf32, #tpu.memory_space<hbm>> -> memref<1x50x128xf32, #tpu.memory_space<hbm>>
      %dma_start3A_832 = tpu.memref_squeeze %dma_start3A_831 : memref<1x50x128xf32, #tpu.memory_space<hbm>> -> memref<50x128xf32, #tpu.memory_space<hbm>>
      %dma_start3A_833 = arith.constant 0 : i32
      %dma_start3A_834 = arith.constant 0 : i32
      %dma_start3A_835 = tpu.memref_slice %arg4[%add3A_823, %dma_start3A_833, %dma_start3A_834] : memref<4096x50x128xf32, #tpu.memory_space<hbm>> -> memref<1x50x128xf32, #tpu.memory_space<hbm>>
      %dma_start3A_836 = tpu.memref_squeeze %dma_start3A_835 : memref<1x50x128xf32, #tpu.memory_space<hbm>> -> memref<50x128xf32, #tpu.memory_space<hbm>>
      %dma_start3A_837 = arith.constant 0 : i32
      %dma_start3A_838 = arith.constant 0 : i32
      %dma_start3A_839 = tpu.memref_slice %arg6[%dma_start3A_824, %dma_start3A_837, %dma_start3A_838] : memref<8x100x128xf32, #tpu.memory_space<vmem>> -> memref<1x50x128xf32, #tpu.memory_space<vmem>>
      %dma_start3A_840 = tpu.memref_squeeze %dma_start3A_839 : memref<1x50x128xf32, #tpu.memory_space<vmem>> -> memref<50x128xf32, #tpu.memory_space<vmem>>
      tpu.enqueue_dma source(%dma_start3A_840 : memref<50x128xf32, #tpu.memory_space<vmem>>) target(%dma_start3A_836 : memref<50x128xf32, #tpu.memory_space<hbm>>) target_semaphore(%arg20 : memref<!tpu.dma_semaphore, #tpu.memory_space<semaphore_mem>>)
      %add3A_841 = arith.addi %mul3A_2, %add3A_802 : i32
      %mul3A_842 = arith.constant 2 : i32
      %mul3A_843 = arith.muli %add3A_841, %mul3A_842 : i32
      %add3A_844 = arith.constant 1 : i32
      %add3A_845 = arith.addi %mul3A_843, %add3A_844 : i32
      %dma_start3A_846 = arith.constant 5 : i32
      %dma_start3A_847 = arith.constant 50 : i32
      %dma_start3A_848 = arith.constant 0 : i32
      %dma_start3A_849 = tpu.memref_slice %arg6[%dma_start3A_846, %dma_start3A_847, %dma_start3A_848] : memref<8x100x128xf32, #tpu.memory_space<vmem>> -> memref<1x50x128xf32, #tpu.memory_space<vmem>>
      %dma_start3A_850 = tpu.memref_squeeze %dma_start3A_849 : memref<1x50x128xf32, #tpu.memory_space<vmem>> -> memref<50x128xf32, #tpu.memory_space<vmem>>
      %dma_start3A_851 = arith.constant 0 : i32
      %dma_start3A_852 = arith.constant 0 : i32
      %dma_start3A_853 = tpu.memref_slice %arg4[%add3A_845, %dma_start3A_851, %dma_start3A_852] : memref<4096x50x128xf32, #tpu.memory_space<hbm>> -> memref<1x50x128xf32, #tpu.memory_space<hbm>>
      %dma_start3A_854 = tpu.memref_squeeze %dma_start3A_853 : memref<1x50x128xf32, #tpu.memory_space<hbm>> -> memref<50x128xf32, #tpu.memory_space<hbm>>
      %dma_start3A_855 = arith.constant 0 : i32
      %dma_start3A_856 = arith.constant 0 : i32
      %dma_start3A_857 = tpu.memref_slice %arg4[%add3A_845, %dma_start3A_855, %dma_start3A_856] : memref<4096x50x128xf32, #tpu.memory_space<hbm>> -> memref<1x50x128xf32, #tpu.memory_space<hbm>>
      %dma_start3A_858 = tpu.memref_squeeze %dma_start3A_857 : memref<1x50x128xf32, #tpu.memory_space<hbm>> -> memref<50x128xf32, #tpu.memory_space<hbm>>
      %dma_start3A_859 = arith.constant 50 : i32
      %dma_start3A_860 = arith.constant 0 : i32
      %dma_start3A_861 = tpu.memref_slice %arg6[%dma_start3A_846, %dma_start3A_859, %dma_start3A_860] : memref<8x100x128xf32, #tpu.memory_space<vmem>> -> memref<1x50x128xf32, #tpu.memory_space<vmem>>
      %dma_start3A_862 = tpu.memref_squeeze %dma_start3A_861 : memref<1x50x128xf32, #tpu.memory_space<vmem>> -> memref<50x128xf32, #tpu.memory_space<vmem>>
      tpu.enqueue_dma source(%dma_start3A_862 : memref<50x128xf32, #tpu.memory_space<vmem>>) target(%dma_start3A_858 : memref<50x128xf32, #tpu.memory_space<hbm>>) target_semaphore(%arg20 : memref<!tpu.dma_semaphore, #tpu.memory_space<semaphore_mem>>)
      %mul3A_863 = arith.constant 4 : i32
      %mul3A_864 = arith.muli %add3A_735, %mul3A_863 : i32
      %add3A_865 = arith.constant 2 : i32
      %add3A_866 = arith.addi %mul3A_864, %add3A_865 : i32
      %dma_wait3A_867 = arith.constant 6 : i32
      %dma_wait3A_868 = arith.constant 0 : i32
      %dma_wait3A_869 = arith.constant 0 : i32
      %dma_wait3A_870 = tpu.memref_slice %arg6[%dma_wait3A_867, %dma_wait3A_868, %dma_wait3A_869] : memref<8x100x128xf32, #tpu.memory_space<vmem>> -> memref<1x100x128xf32, #tpu.memory_space<vmem>>
      %dma_wait3A_871 = tpu.memref_squeeze %dma_wait3A_870 : memref<1x100x128xf32, #tpu.memory_space<vmem>> -> memref<100x128xf32, #tpu.memory_space<vmem>>
      %dma_wait3A_872 = arith.constant 0 : i32
      %dma_wait3A_873 = tpu.memref_slice %arg5[%add3A_866, %dma_wait3A_872] : memref<64x100xi32, #tpu.memory_space<vmem>> -> memref<1x100xi32, #tpu.memory_space<vmem>>
      %dma_wait3A_874 = tpu.memref_squeeze %dma_wait3A_873 : memref<1x100xi32, #tpu.memory_space<vmem>> -> memref<100xi32, #tpu.memory_space<vmem>>
      %dma_wait3A_875 = arith.constant 0 : i32
      %dma_wait3A_876 = arith.constant 0 : i32
      %dma_wait3A_877 = tpu.memref_slice %arg2[%dma_wait3A_875, %dma_wait3A_876] : memref<100001x128xf32, #tpu.memory_space<hbm>> -> memref<100001x128xf32, #tpu.memory_space<hbm>>
      tpu.wait_indirect_dma semaphore(%arg13 : memref<!tpu.dma_semaphore, #tpu.memory_space<semaphore_mem>>) src(%dma_wait3A_877 : memref<100001x128xf32, #tpu.memory_space<hbm>>) dst(%dma_wait3A_871 : memref<100x128xf32, #tpu.memory_space<vmem>>)
      %lt3A_878 = arith.constant 7 : i32
      %lt3A_879 = arith.cmpi slt, %scan3A_422, %lt3A_878 : i32
      %convert_element_type3A_880 = arith.extui %lt3A_879 : i1 to i32
      %cond3A_881 = arith.constant 0 : i32
      %cond3A_882 = arith.cmpi ne, %convert_element_type3A_880, %cond3A_881 : i32
      scf.if %cond3A_882 {
        %sub3A = arith.constant 4 : i32
        %sub3A_991 = arith.subi %add3A_866, %sub3A : i32
        %add3A_992 = arith.addi %mul3A_2, %sub3A_991 : i32
        %mul3A_993 = arith.constant 2 : i32
        %mul3A_994 = arith.muli %add3A_992, %mul3A_993 : i32
        %add3A_995 = arith.constant 0 : i32
        %add3A_996 = arith.addi %mul3A_994, %add3A_995 : i32
        %dma_wait3A_997 = arith.constant 2 : i32
        %dma_wait3A_998 = arith.constant 0 : i32
        %dma_wait3A_999 = arith.constant 0 : i32
        %dma_wait3A_1000 = tpu.memref_slice %arg6[%dma_wait3A_997, %dma_wait3A_998, %dma_wait3A_999] : memref<8x100x128xf32, #tpu.memory_space<vmem>> -> memref<1x50x128xf32, #tpu.memory_space<vmem>>
        %dma_wait3A_1001 = tpu.memref_squeeze %dma_wait3A_1000 : memref<1x50x128xf32, #tpu.memory_space<vmem>> -> memref<50x128xf32, #tpu.memory_space<vmem>>
        %dma_wait3A_1002 = arith.constant 0 : i32
        %dma_wait3A_1003 = arith.constant 0 : i32
        %dma_wait3A_1004 = tpu.memref_slice %arg4[%add3A_996, %dma_wait3A_1002, %dma_wait3A_1003] : memref<4096x50x128xf32, #tpu.memory_space<hbm>> -> memref<1x50x128xf32, #tpu.memory_space<hbm>>
        %dma_wait3A_1005 = tpu.memref_squeeze %dma_wait3A_1004 : memref<1x50x128xf32, #tpu.memory_space<hbm>> -> memref<50x128xf32, #tpu.memory_space<hbm>>
        %dma_wait3A_1006 = arith.constant 0 : i32
        %dma_wait3A_1007 = arith.constant 0 : i32
        %dma_wait3A_1008 = tpu.memref_slice %arg4[%add3A_996, %dma_wait3A_1006, %dma_wait3A_1007] : memref<4096x50x128xf32, #tpu.memory_space<hbm>> -> memref<1x50x128xf32, #tpu.memory_space<hbm>>
        %dma_wait3A_1009 = tpu.memref_squeeze %dma_wait3A_1008 : memref<1x50x128xf32, #tpu.memory_space<hbm>> -> memref<50x128xf32, #tpu.memory_space<hbm>>
        %dma_wait3A_1010 = arith.constant 0 : i32
        %dma_wait3A_1011 = arith.constant 0 : i32
        %dma_wait3A_1012 = tpu.memref_slice %arg6[%dma_wait3A_997, %dma_wait3A_1010, %dma_wait3A_1011] : memref<8x100x128xf32, #tpu.memory_space<vmem>> -> memref<1x50x128xf32, #tpu.memory_space<vmem>>
        %dma_wait3A_1013 = tpu.memref_squeeze %dma_wait3A_1012 : memref<1x50x128xf32, #tpu.memory_space<vmem>> -> memref<50x128xf32, #tpu.memory_space<vmem>>
        tpu.wait_dma2 semaphore(%arg17 : memref<!tpu.dma_semaphore, #tpu.memory_space<semaphore_mem>>) src(%dma_wait3A_1013 : memref<50x128xf32, #tpu.memory_space<vmem>>) dst(%dma_wait3A_1009 : memref<50x128xf32, #tpu.memory_space<hbm>>)
        %add3A_1014 = arith.addi %mul3A_2, %sub3A_991 : i32
        %mul3A_1015 = arith.constant 2 : i32
        %mul3A_1016 = arith.muli %add3A_1014, %mul3A_1015 : i32
        %add3A_1017 = arith.constant 1 : i32
        %add3A_1018 = arith.addi %mul3A_1016, %add3A_1017 : i32
        %dma_wait3A_1019 = arith.constant 2 : i32
        %dma_wait3A_1020 = arith.constant 50 : i32
        %dma_wait3A_1021 = arith.constant 0 : i32
        %dma_wait3A_1022 = tpu.memref_slice %arg6[%dma_wait3A_1019, %dma_wait3A_1020, %dma_wait3A_1021] : memref<8x100x128xf32, #tpu.memory_space<vmem>> -> memref<1x50x128xf32, #tpu.memory_space<vmem>>
        %dma_wait3A_1023 = tpu.memref_squeeze %dma_wait3A_1022 : memref<1x50x128xf32, #tpu.memory_space<vmem>> -> memref<50x128xf32, #tpu.memory_space<vmem>>
        %dma_wait3A_1024 = arith.constant 0 : i32
        %dma_wait3A_1025 = arith.constant 0 : i32
        %dma_wait3A_1026 = tpu.memref_slice %arg4[%add3A_1018, %dma_wait3A_1024, %dma_wait3A_1025] : memref<4096x50x128xf32, #tpu.memory_space<hbm>> -> memref<1x50x128xf32, #tpu.memory_space<hbm>>
        %dma_wait3A_1027 = tpu.memref_squeeze %dma_wait3A_1026 : memref<1x50x128xf32, #tpu.memory_space<hbm>> -> memref<50x128xf32, #tpu.memory_space<hbm>>
        %dma_wait3A_1028 = arith.constant 0 : i32
        %dma_wait3A_1029 = arith.constant 0 : i32
        %dma_wait3A_1030 = tpu.memref_slice %arg4[%add3A_1018, %dma_wait3A_1028, %dma_wait3A_1029] : memref<4096x50x128xf32, #tpu.memory_space<hbm>> -> memref<1x50x128xf32, #tpu.memory_space<hbm>>
        %dma_wait3A_1031 = tpu.memref_squeeze %dma_wait3A_1030 : memref<1x50x128xf32, #tpu.memory_space<hbm>> -> memref<50x128xf32, #tpu.memory_space<hbm>>
        %dma_wait3A_1032 = arith.constant 50 : i32
        %dma_wait3A_1033 = arith.constant 0 : i32
        %dma_wait3A_1034 = tpu.memref_slice %arg6[%dma_wait3A_1019, %dma_wait3A_1032, %dma_wait3A_1033] : memref<8x100x128xf32, #tpu.memory_space<vmem>> -> memref<1x50x128xf32, #tpu.memory_space<vmem>>
        %dma_wait3A_1035 = tpu.memref_squeeze %dma_wait3A_1034 : memref<1x50x128xf32, #tpu.memory_space<vmem>> -> memref<50x128xf32, #tpu.memory_space<vmem>>
        tpu.wait_dma2 semaphore(%arg17 : memref<!tpu.dma_semaphore, #tpu.memory_space<semaphore_mem>>) src(%dma_wait3A_1035 : memref<50x128xf32, #tpu.memory_space<vmem>>) dst(%dma_wait3A_1031 : memref<50x128xf32, #tpu.memory_space<hbm>>)
        %add3A_1036 = arith.constant 4 : i32
        %add3A_1037 = arith.addi %add3A_866, %add3A_1036 : i32
        %dma_start3A_1038 = arith.constant 2 : i32
        %dma_start3A_1039 = arith.constant 0 : i32
        %dma_start3A_1040 = arith.constant 0 : i32
        %dma_start3A_1041 = tpu.memref_slice %arg6[%dma_start3A_1038, %dma_start3A_1039, %dma_start3A_1040] : memref<8x100x128xf32, #tpu.memory_space<vmem>> -> memref<1x100x128xf32, #tpu.memory_space<vmem>>
        %dma_start3A_1042 = tpu.memref_squeeze %dma_start3A_1041 : memref<1x100x128xf32, #tpu.memory_space<vmem>> -> memref<100x128xf32, #tpu.memory_space<vmem>>
        %dma_start3A_1043 = arith.constant 0 : i32
        %dma_start3A_1044 = tpu.memref_slice %arg5[%add3A_1037, %dma_start3A_1043] : memref<64x100xi32, #tpu.memory_space<vmem>> -> memref<1x100xi32, #tpu.memory_space<vmem>>
        %dma_start3A_1045 = tpu.memref_squeeze %dma_start3A_1044 : memref<1x100xi32, #tpu.memory_space<vmem>> -> memref<100xi32, #tpu.memory_space<vmem>>
        %dma_start3A_1046 = arith.constant 0 : i32
        %dma_start3A_1047 = arith.constant 0 : i32
        %dma_start3A_1048 = tpu.memref_slice %arg2[%dma_start3A_1046, %dma_start3A_1047] : memref<100001x128xf32, #tpu.memory_space<hbm>> -> memref<100001x128xf32, #tpu.memory_space<hbm>>
        tpu.enqueue_indirect_dma source(%dma_start3A_1048 : memref<100001x128xf32, #tpu.memory_space<hbm>>) target(%dma_start3A_1042 : memref<100x128xf32, #tpu.memory_space<vmem>>) offsets(%dma_start3A_1045 : memref<100xi32, #tpu.memory_space<vmem>>) semaphore(%arg9 : memref<!tpu.dma_semaphore, #tpu.memory_space<semaphore_mem>>)
      } else {
      }
      %add3A_883 = arith.addi %mul3A_2, %add3A_866 : i32
      %mul3A_884 = arith.constant 2 : i32
      %mul3A_885 = arith.muli %add3A_883, %mul3A_884 : i32
      %add3A_886 = arith.constant 0 : i32
      %add3A_887 = arith.addi %mul3A_885, %add3A_886 : i32
      %dma_start3A_888 = arith.constant 6 : i32
      %dma_start3A_889 = arith.constant 0 : i32
      %dma_start3A_890 = arith.constant 0 : i32
      %dma_start3A_891 = tpu.memref_slice %arg6[%dma_start3A_888, %dma_start3A_889, %dma_start3A_890] : memref<8x100x128xf32, #tpu.memory_space<vmem>> -> memref<1x50x128xf32, #tpu.memory_space<vmem>>
      %dma_start3A_892 = tpu.memref_squeeze %dma_start3A_891 : memref<1x50x128xf32, #tpu.memory_space<vmem>> -> memref<50x128xf32, #tpu.memory_space<vmem>>
      %dma_start3A_893 = arith.constant 0 : i32
      %dma_start3A_894 = arith.constant 0 : i32
      %dma_start3A_895 = tpu.memref_slice %arg4[%add3A_887, %dma_start3A_893, %dma_start3A_894] : memref<4096x50x128xf32, #tpu.memory_space<hbm>> -> memref<1x50x128xf32, #tpu.memory_space<hbm>>
      %dma_start3A_896 = tpu.memref_squeeze %dma_start3A_895 : memref<1x50x128xf32, #tpu.memory_space<hbm>> -> memref<50x128xf32, #tpu.memory_space<hbm>>
      %dma_start3A_897 = arith.constant 0 : i32
      %dma_start3A_898 = arith.constant 0 : i32
      %dma_start3A_899 = tpu.memref_slice %arg4[%add3A_887, %dma_start3A_897, %dma_start3A_898] : memref<4096x50x128xf32, #tpu.memory_space<hbm>> -> memref<1x50x128xf32, #tpu.memory_space<hbm>>
      %dma_start3A_900 = tpu.memref_squeeze %dma_start3A_899 : memref<1x50x128xf32, #tpu.memory_space<hbm>> -> memref<50x128xf32, #tpu.memory_space<hbm>>
      %dma_start3A_901 = arith.constant 0 : i32
      %dma_start3A_902 = arith.constant 0 : i32
      %dma_start3A_903 = tpu.memref_slice %arg6[%dma_start3A_888, %dma_start3A_901, %dma_start3A_902] : memref<8x100x128xf32, #tpu.memory_space<vmem>> -> memref<1x50x128xf32, #tpu.memory_space<vmem>>
      %dma_start3A_904 = tpu.memref_squeeze %dma_start3A_903 : memref<1x50x128xf32, #tpu.memory_space<vmem>> -> memref<50x128xf32, #tpu.memory_space<vmem>>
      tpu.enqueue_dma source(%dma_start3A_904 : memref<50x128xf32, #tpu.memory_space<vmem>>) target(%dma_start3A_900 : memref<50x128xf32, #tpu.memory_space<hbm>>) target_semaphore(%arg21 : memref<!tpu.dma_semaphore, #tpu.memory_space<semaphore_mem>>)
      %add3A_905 = arith.addi %mul3A_2, %add3A_866 : i32
      %mul3A_906 = arith.constant 2 : i32
      %mul3A_907 = arith.muli %add3A_905, %mul3A_906 : i32
      %add3A_908 = arith.constant 1 : i32
      %add3A_909 = arith.addi %mul3A_907, %add3A_908 : i32
      %dma_start3A_910 = arith.constant 6 : i32
      %dma_start3A_911 = arith.constant 50 : i32
      %dma_start3A_912 = arith.constant 0 : i32
      %dma_start3A_913 = tpu.memref_slice %arg6[%dma_start3A_910, %dma_start3A_911, %dma_start3A_912] : memref<8x100x128xf32, #tpu.memory_space<vmem>> -> memref<1x50x128xf32, #tpu.memory_space<vmem>>
      %dma_start3A_914 = tpu.memref_squeeze %dma_start3A_913 : memref<1x50x128xf32, #tpu.memory_space<vmem>> -> memref<50x128xf32, #tpu.memory_space<vmem>>
      %dma_start3A_915 = arith.constant 0 : i32
      %dma_start3A_916 = arith.constant 0 : i32
      %dma_start3A_917 = tpu.memref_slice %arg4[%add3A_909, %dma_start3A_915, %dma_start3A_916] : memref<4096x50x128xf32, #tpu.memory_space<hbm>> -> memref<1x50x128xf32, #tpu.memory_space<hbm>>
      %dma_start3A_918 = tpu.memref_squeeze %dma_start3A_917 : memref<1x50x128xf32, #tpu.memory_space<hbm>> -> memref<50x128xf32, #tpu.memory_space<hbm>>
      %dma_start3A_919 = arith.constant 0 : i32
      %dma_start3A_920 = arith.constant 0 : i32
      %dma_start3A_921 = tpu.memref_slice %arg4[%add3A_909, %dma_start3A_919, %dma_start3A_920] : memref<4096x50x128xf32, #tpu.memory_space<hbm>> -> memref<1x50x128xf32, #tpu.memory_space<hbm>>
      %dma_start3A_922 = tpu.memref_squeeze %dma_start3A_921 : memref<1x50x128xf32, #tpu.memory_space<hbm>> -> memref<50x128xf32, #tpu.memory_space<hbm>>
      %dma_start3A_923 = arith.constant 50 : i32
      %dma_start3A_924 = arith.constant 0 : i32
      %dma_start3A_925 = tpu.memref_slice %arg6[%dma_start3A_910, %dma_start3A_923, %dma_start3A_924] : memref<8x100x128xf32, #tpu.memory_space<vmem>> -> memref<1x50x128xf32, #tpu.memory_space<vmem>>
      %dma_start3A_926 = tpu.memref_squeeze %dma_start3A_925 : memref<1x50x128xf32, #tpu.memory_space<vmem>> -> memref<50x128xf32, #tpu.memory_space<vmem>>
      tpu.enqueue_dma source(%dma_start3A_926 : memref<50x128xf32, #tpu.memory_space<vmem>>) target(%dma_start3A_922 : memref<50x128xf32, #tpu.memory_space<hbm>>) target_semaphore(%arg21 : memref<!tpu.dma_semaphore, #tpu.memory_space<semaphore_mem>>)
      %mul3A_927 = arith.constant 4 : i32
      %mul3A_928 = arith.muli %add3A_735, %mul3A_927 : i32
      %add3A_929 = arith.constant 3 : i32
      %add3A_930 = arith.addi %mul3A_928, %add3A_929 : i32
      %dma_wait3A_931 = arith.constant 7 : i32
      %dma_wait3A_932 = arith.constant 0 : i32
      %dma_wait3A_933 = arith.constant 0 : i32
      %dma_wait3A_934 = tpu.memref_slice %arg6[%dma_wait3A_931, %dma_wait3A_932, %dma_wait3A_933] : memref<8x100x128xf32, #tpu.memory_space<vmem>> -> memref<1x100x128xf32, #tpu.memory_space<vmem>>
      %dma_wait3A_935 = tpu.memref_squeeze %dma_wait3A_934 : memref<1x100x128xf32, #tpu.memory_space<vmem>> -> memref<100x128xf32, #tpu.memory_space<vmem>>
      %dma_wait3A_936 = arith.constant 0 : i32
      %dma_wait3A_937 = tpu.memref_slice %arg5[%add3A_930, %dma_wait3A_936] : memref<64x100xi32, #tpu.memory_space<vmem>> -> memref<1x100xi32, #tpu.memory_space<vmem>>
      %dma_wait3A_938 = tpu.memref_squeeze %dma_wait3A_937 : memref<1x100xi32, #tpu.memory_space<vmem>> -> memref<100xi32, #tpu.memory_space<vmem>>
      %dma_wait3A_939 = arith.constant 0 : i32
      %dma_wait3A_940 = arith.constant 0 : i32
      %dma_wait3A_941 = tpu.memref_slice %arg2[%dma_wait3A_939, %dma_wait3A_940] : memref<100001x128xf32, #tpu.memory_space<hbm>> -> memref<100001x128xf32, #tpu.memory_space<hbm>>
      tpu.wait_indirect_dma semaphore(%arg14 : memref<!tpu.dma_semaphore, #tpu.memory_space<semaphore_mem>>) src(%dma_wait3A_941 : memref<100001x128xf32, #tpu.memory_space<hbm>>) dst(%dma_wait3A_935 : memref<100x128xf32, #tpu.memory_space<vmem>>)
      %lt3A_942 = arith.constant 7 : i32
      %lt3A_943 = arith.cmpi slt, %scan3A_422, %lt3A_942 : i32
      %convert_element_type3A_944 = arith.extui %lt3A_943 : i1 to i32
      %cond3A_945 = arith.constant 0 : i32
      %cond3A_946 = arith.cmpi ne, %convert_element_type3A_944, %cond3A_945 : i32
      scf.if %cond3A_946 {
        %sub3A = arith.constant 4 : i32
        %sub3A_991 = arith.subi %add3A_930, %sub3A : i32
        %add3A_992 = arith.addi %mul3A_2, %sub3A_991 : i32
        %mul3A_993 = arith.constant 2 : i32
        %mul3A_994 = arith.muli %add3A_992, %mul3A_993 : i32
        %add3A_995 = arith.constant 0 : i32
        %add3A_996 = arith.addi %mul3A_994, %add3A_995 : i32
        %dma_wait3A_997 = arith.constant 3 : i32
        %dma_wait3A_998 = arith.constant 0 : i32
        %dma_wait3A_999 = arith.constant 0 : i32
        %dma_wait3A_1000 = tpu.memref_slice %arg6[%dma_wait3A_997, %dma_wait3A_998, %dma_wait3A_999] : memref<8x100x128xf32, #tpu.memory_space<vmem>> -> memref<1x50x128xf32, #tpu.memory_space<vmem>>
        %dma_wait3A_1001 = tpu.memref_squeeze %dma_wait3A_1000 : memref<1x50x128xf32, #tpu.memory_space<vmem>> -> memref<50x128xf32, #tpu.memory_space<vmem>>
        %dma_wait3A_1002 = arith.constant 0 : i32
        %dma_wait3A_1003 = arith.constant 0 : i32
        %dma_wait3A_1004 = tpu.memref_slice %arg4[%add3A_996, %dma_wait3A_1002, %dma_wait3A_1003] : memref<4096x50x128xf32, #tpu.memory_space<hbm>> -> memref<1x50x128xf32, #tpu.memory_space<hbm>>
        %dma_wait3A_1005 = tpu.memref_squeeze %dma_wait3A_1004 : memref<1x50x128xf32, #tpu.memory_space<hbm>> -> memref<50x128xf32, #tpu.memory_space<hbm>>
        %dma_wait3A_1006 = arith.constant 0 : i32
        %dma_wait3A_1007 = arith.constant 0 : i32
        %dma_wait3A_1008 = tpu.memref_slice %arg4[%add3A_996, %dma_wait3A_1006, %dma_wait3A_1007] : memref<4096x50x128xf32, #tpu.memory_space<hbm>> -> memref<1x50x128xf32, #tpu.memory_space<hbm>>
        %dma_wait3A_1009 = tpu.memref_squeeze %dma_wait3A_1008 : memref<1x50x128xf32, #tpu.memory_space<hbm>> -> memref<50x128xf32, #tpu.memory_space<hbm>>
        %dma_wait3A_1010 = arith.constant 0 : i32
        %dma_wait3A_1011 = arith.constant 0 : i32
        %dma_wait3A_1012 = tpu.memref_slice %arg6[%dma_wait3A_997, %dma_wait3A_1010, %dma_wait3A_1011] : memref<8x100x128xf32, #tpu.memory_space<vmem>> -> memref<1x50x128xf32, #tpu.memory_space<vmem>>
        %dma_wait3A_1013 = tpu.memref_squeeze %dma_wait3A_1012 : memref<1x50x128xf32, #tpu.memory_space<vmem>> -> memref<50x128xf32, #tpu.memory_space<vmem>>
        tpu.wait_dma2 semaphore(%arg18 : memref<!tpu.dma_semaphore, #tpu.memory_space<semaphore_mem>>) src(%dma_wait3A_1013 : memref<50x128xf32, #tpu.memory_space<vmem>>) dst(%dma_wait3A_1009 : memref<50x128xf32, #tpu.memory_space<hbm>>)
        %add3A_1014 = arith.addi %mul3A_2, %sub3A_991 : i32
        %mul3A_1015 = arith.constant 2 : i32
        %mul3A_1016 = arith.muli %add3A_1014, %mul3A_1015 : i32
        %add3A_1017 = arith.constant 1 : i32
        %add3A_1018 = arith.addi %mul3A_1016, %add3A_1017 : i32
        %dma_wait3A_1019 = arith.constant 3 : i32
        %dma_wait3A_1020 = arith.constant 50 : i32
        %dma_wait3A_1021 = arith.constant 0 : i32
        %dma_wait3A_1022 = tpu.memref_slice %arg6[%dma_wait3A_1019, %dma_wait3A_1020, %dma_wait3A_1021] : memref<8x100x128xf32, #tpu.memory_space<vmem>> -> memref<1x50x128xf32, #tpu.memory_space<vmem>>
        %dma_wait3A_1023 = tpu.memref_squeeze %dma_wait3A_1022 : memref<1x50x128xf32, #tpu.memory_space<vmem>> -> memref<50x128xf32, #tpu.memory_space<vmem>>
        %dma_wait3A_1024 = arith.constant 0 : i32
        %dma_wait3A_1025 = arith.constant 0 : i32
        %dma_wait3A_1026 = tpu.memref_slice %arg4[%add3A_1018, %dma_wait3A_1024, %dma_wait3A_1025] : memref<4096x50x128xf32, #tpu.memory_space<hbm>> -> memref<1x50x128xf32, #tpu.memory_space<hbm>>
        %dma_wait3A_1027 = tpu.memref_squeeze %dma_wait3A_1026 : memref<1x50x128xf32, #tpu.memory_space<hbm>> -> memref<50x128xf32, #tpu.memory_space<hbm>>
        %dma_wait3A_1028 = arith.constant 0 : i32
        %dma_wait3A_1029 = arith.constant 0 : i32
        %dma_wait3A_1030 = tpu.memref_slice %arg4[%add3A_1018, %dma_wait3A_1028, %dma_wait3A_1029] : memref<4096x50x128xf32, #tpu.memory_space<hbm>> -> memref<1x50x128xf32, #tpu.memory_space<hbm>>
        %dma_wait3A_1031 = tpu.memref_squeeze %dma_wait3A_1030 : memref<1x50x128xf32, #tpu.memory_space<hbm>> -> memref<50x128xf32, #tpu.memory_space<hbm>>
        %dma_wait3A_1032 = arith.constant 50 : i32
        %dma_wait3A_1033 = arith.constant 0 : i32
        %dma_wait3A_1034 = tpu.memref_slice %arg6[%dma_wait3A_1019, %dma_wait3A_1032, %dma_wait3A_1033] : memref<8x100x128xf32, #tpu.memory_space<vmem>> -> memref<1x50x128xf32, #tpu.memory_space<vmem>>
        %dma_wait3A_1035 = tpu.memref_squeeze %dma_wait3A_1034 : memref<1x50x128xf32, #tpu.memory_space<vmem>> -> memref<50x128xf32, #tpu.memory_space<vmem>>
        tpu.wait_dma2 semaphore(%arg18 : memref<!tpu.dma_semaphore, #tpu.memory_space<semaphore_mem>>) src(%dma_wait3A_1035 : memref<50x128xf32, #tpu.memory_space<vmem>>) dst(%dma_wait3A_1031 : memref<50x128xf32, #tpu.memory_space<hbm>>)
        %add3A_1036 = arith.constant 4 : i32
        %add3A_1037 = arith.addi %add3A_930, %add3A_1036 : i32
        %dma_start3A_1038 = arith.constant 3 : i32
        %dma_start3A_1039 = arith.constant 0 : i32
        %dma_start3A_1040 = arith.constant 0 : i32
        %dma_start3A_1041 = tpu.memref_slice %arg6[%dma_start3A_1038, %dma_start3A_1039, %dma_start3A_1040] : memref<8x100x128xf32, #tpu.memory_space<vmem>> -> memref<1x100x128xf32, #tpu.memory_space<vmem>>
        %dma_start3A_1042 = tpu.memref_squeeze %dma_start3A_1041 : memref<1x100x128xf32, #tpu.memory_space<vmem>> -> memref<100x128xf32, #tpu.memory_space<vmem>>
        %dma_start3A_1043 = arith.constant 0 : i32
        %dma_start3A_1044 = tpu.memref_slice %arg5[%add3A_1037, %dma_start3A_1043] : memref<64x100xi32, #tpu.memory_space<vmem>> -> memref<1x100xi32, #tpu.memory_space<vmem>>
        %dma_start3A_1045 = tpu.memref_squeeze %dma_start3A_1044 : memref<1x100xi32, #tpu.memory_space<vmem>> -> memref<100xi32, #tpu.memory_space<vmem>>
        %dma_start3A_1046 = arith.constant 0 : i32
        %dma_start3A_1047 = arith.constant 0 : i32
        %dma_start3A_1048 = tpu.memref_slice %arg2[%dma_start3A_1046, %dma_start3A_1047] : memref<100001x128xf32, #tpu.memory_space<hbm>> -> memref<100001x128xf32, #tpu.memory_space<hbm>>
        tpu.enqueue_indirect_dma source(%dma_start3A_1048 : memref<100001x128xf32, #tpu.memory_space<hbm>>) target(%dma_start3A_1042 : memref<100x128xf32, #tpu.memory_space<vmem>>) offsets(%dma_start3A_1045 : memref<100xi32, #tpu.memory_space<vmem>>) semaphore(%arg10 : memref<!tpu.dma_semaphore, #tpu.memory_space<semaphore_mem>>)
      } else {
      }
      %add3A_947 = arith.addi %mul3A_2, %add3A_930 : i32
      %mul3A_948 = arith.constant 2 : i32
      %mul3A_949 = arith.muli %add3A_947, %mul3A_948 : i32
      %add3A_950 = arith.constant 0 : i32
      %add3A_951 = arith.addi %mul3A_949, %add3A_950 : i32
      %dma_start3A_952 = arith.constant 7 : i32
      %dma_start3A_953 = arith.constant 0 : i32
      %dma_start3A_954 = arith.constant 0 : i32
      %dma_start3A_955 = tpu.memref_slice %arg6[%dma_start3A_952, %dma_start3A_953, %dma_start3A_954] : memref<8x100x128xf32, #tpu.memory_space<vmem>> -> memref<1x50x128xf32, #tpu.memory_space<vmem>>
      %dma_start3A_956 = tpu.memref_squeeze %dma_start3A_955 : memref<1x50x128xf32, #tpu.memory_space<vmem>> -> memref<50x128xf32, #tpu.memory_space<vmem>>
      %dma_start3A_957 = arith.constant 0 : i32
      %dma_start3A_958 = arith.constant 0 : i32
      %dma_start3A_959 = tpu.memref_slice %arg4[%add3A_951, %dma_start3A_957, %dma_start3A_958] : memref<4096x50x128xf32, #tpu.memory_space<hbm>> -> memref<1x50x128xf32, #tpu.memory_space<hbm>>
      %dma_start3A_960 = tpu.memref_squeeze %dma_start3A_959 : memref<1x50x128xf32, #tpu.memory_space<hbm>> -> memref<50x128xf32, #tpu.memory_space<hbm>>
      %dma_start3A_961 = arith.constant 0 : i32
      %dma_start3A_962 = arith.constant 0 : i32
      %dma_start3A_963 = tpu.memref_slice %arg4[%add3A_951, %dma_start3A_961, %dma_start3A_962] : memref<4096x50x128xf32, #tpu.memory_space<hbm>> -> memref<1x50x128xf32, #tpu.memory_space<hbm>>
      %dma_start3A_964 = tpu.memref_squeeze %dma_start3A_963 : memref<1x50x128xf32, #tpu.memory_space<hbm>> -> memref<50x128xf32, #tpu.memory_space<hbm>>
      %dma_start3A_965 = arith.constant 0 : i32
      %dma_start3A_966 = arith.constant 0 : i32
      %dma_start3A_967 = tpu.memref_slice %arg6[%dma_start3A_952, %dma_start3A_965, %dma_start3A_966] : memref<8x100x128xf32, #tpu.memory_space<vmem>> -> memref<1x50x128xf32, #tpu.memory_space<vmem>>
      %dma_start3A_968 = tpu.memref_squeeze %dma_start3A_967 : memref<1x50x128xf32, #tpu.memory_space<vmem>> -> memref<50x128xf32, #tpu.memory_space<vmem>>
      tpu.enqueue_dma source(%dma_start3A_968 : memref<50x128xf32, #tpu.memory_space<vmem>>) target(%dma_start3A_964 : memref<50x128xf32, #tpu.memory_space<hbm>>) target_semaphore(%arg22 : memref<!tpu.dma_semaphore, #tpu.memory_space<semaphore_mem>>)
      %add3A_969 = arith.addi %mul3A_2, %add3A_930 : i32
      %mul3A_970 = arith.constant 2 : i32
      %mul3A_971 = arith.muli %add3A_969, %mul3A_970 : i32
      %add3A_972 = arith.constant 1 : i32
      %add3A_973 = arith.addi %mul3A_971, %add3A_972 : i32
      %dma_start3A_974 = arith.constant 7 : i32
      %dma_start3A_975 = arith.constant 50 : i32
      %dma_start3A_976 = arith.constant 0 : i32
      %dma_start3A_977 = tpu.memref_slice %arg6[%dma_start3A_974, %dma_start3A_975, %dma_start3A_976] : memref<8x100x128xf32, #tpu.memory_space<vmem>> -> memref<1x50x128xf32, #tpu.memory_space<vmem>>
      %dma_start3A_978 = tpu.memref_squeeze %dma_start3A_977 : memref<1x50x128xf32, #tpu.memory_space<vmem>> -> memref<50x128xf32, #tpu.memory_space<vmem>>
      %dma_start3A_979 = arith.constant 0 : i32
      %dma_start3A_980 = arith.constant 0 : i32
      %dma_start3A_981 = tpu.memref_slice %arg4[%add3A_973, %dma_start3A_979, %dma_start3A_980] : memref<4096x50x128xf32, #tpu.memory_space<hbm>> -> memref<1x50x128xf32, #tpu.memory_space<hbm>>
      %dma_start3A_982 = tpu.memref_squeeze %dma_start3A_981 : memref<1x50x128xf32, #tpu.memory_space<hbm>> -> memref<50x128xf32, #tpu.memory_space<hbm>>
      %dma_start3A_983 = arith.constant 0 : i32
      %dma_start3A_984 = arith.constant 0 : i32
      %dma_start3A_985 = tpu.memref_slice %arg4[%add3A_973, %dma_start3A_983, %dma_start3A_984] : memref<4096x50x128xf32, #tpu.memory_space<hbm>> -> memref<1x50x128xf32, #tpu.memory_space<hbm>>
      %dma_start3A_986 = tpu.memref_squeeze %dma_start3A_985 : memref<1x50x128xf32, #tpu.memory_space<hbm>> -> memref<50x128xf32, #tpu.memory_space<hbm>>
      %dma_start3A_987 = arith.constant 50 : i32
      %dma_start3A_988 = arith.constant 0 : i32
      %dma_start3A_989 = tpu.memref_slice %arg6[%dma_start3A_974, %dma_start3A_987, %dma_start3A_988] : memref<8x100x128xf32, #tpu.memory_space<vmem>> -> memref<1x50x128xf32, #tpu.memory_space<vmem>>
      %dma_start3A_990 = tpu.memref_squeeze %dma_start3A_989 : memref<1x50x128xf32, #tpu.memory_space<vmem>> -> memref<50x128xf32, #tpu.memory_space<vmem>>
      tpu.enqueue_dma source(%dma_start3A_990 : memref<50x128xf32, #tpu.memory_space<vmem>>) target(%dma_start3A_986 : memref<50x128xf32, #tpu.memory_space<hbm>>) target_semaphore(%arg22 : memref<!tpu.dma_semaphore, #tpu.memory_space<semaphore_mem>>)
    }
    %scan3A_54 = arith.constant 8 : i32
    %add3A_55 = arith.constant 56 : i32
    %add3A_56 = arith.addi %mul3A_2, %add3A_55 : i32
    %mul3A_57 = arith.constant 2 : i32
    %mul3A_58 = arith.muli %add3A_56, %mul3A_57 : i32
    %add3A_59 = arith.constant 0 : i32
    %add3A_60 = arith.addi %mul3A_58, %add3A_59 : i32
    %dma_wait3A = arith.constant 0 : i32
    %dma_wait3A_61 = arith.constant 0 : i32
    %dma_wait3A_62 = arith.constant 0 : i32
    %dma_wait3A_63 = tpu.memref_slice %arg6[%dma_wait3A, %dma_wait3A_61, %dma_wait3A_62] : memref<8x100x128xf32, #tpu.memory_space<vmem>> -> memref<1x50x128xf32, #tpu.memory_space<vmem>>
    %dma_wait3A_64 = tpu.memref_squeeze %dma_wait3A_63 : memref<1x50x128xf32, #tpu.memory_space<vmem>> -> memref<50x128xf32, #tpu.memory_space<vmem>>
    %dma_wait3A_65 = arith.constant 0 : i32
    %dma_wait3A_66 = arith.constant 0 : i32
    %dma_wait3A_67 = tpu.memref_slice %arg4[%add3A_60, %dma_wait3A_65, %dma_wait3A_66] : memref<4096x50x128xf32, #tpu.memory_space<hbm>> -> memref<1x50x128xf32, #tpu.memory_space<hbm>>
    %dma_wait3A_68 = tpu.memref_squeeze %dma_wait3A_67 : memref<1x50x128xf32, #tpu.memory_space<hbm>> -> memref<50x128xf32, #tpu.memory_space<hbm>>
    %dma_wait3A_69 = arith.constant 0 : i32
    %dma_wait3A_70 = arith.constant 0 : i32
    %dma_wait3A_71 = tpu.memref_slice %arg4[%add3A_60, %dma_wait3A_69, %dma_wait3A_70] : memref<4096x50x128xf32, #tpu.memory_space<hbm>> -> memref<1x50x128xf32, #tpu.memory_space<hbm>>
    %dma_wait3A_72 = tpu.memref_squeeze %dma_wait3A_71 : memref<1x50x128xf32, #tpu.memory_space<hbm>> -> memref<50x128xf32, #tpu.memory_space<hbm>>
    %dma_wait3A_73 = arith.constant 0 : i32
    %dma_wait3A_74 = arith.constant 0 : i32
    %dma_wait3A_75 = tpu.memref_slice %arg6[%dma_wait3A, %dma_wait3A_73, %dma_wait3A_74] : memref<8x100x128xf32, #tpu.memory_space<vmem>> -> memref<1x50x128xf32, #tpu.memory_space<vmem>>
    %dma_wait3A_76 = tpu.memref_squeeze %dma_wait3A_75 : memref<1x50x128xf32, #tpu.memory_space<vmem>> -> memref<50x128xf32, #tpu.memory_space<vmem>>
    tpu.wait_dma2 semaphore(%arg15 : memref<!tpu.dma_semaphore, #tpu.memory_space<semaphore_mem>>) src(%dma_wait3A_76 : memref<50x128xf32, #tpu.memory_space<vmem>>) dst(%dma_wait3A_72 : memref<50x128xf32, #tpu.memory_space<hbm>>)
    %add3A_77 = arith.constant 56 : i32
    %add3A_78 = arith.addi %mul3A_2, %add3A_77 : i32
    %mul3A_79 = arith.constant 2 : i32
    %mul3A_80 = arith.muli %add3A_78, %mul3A_79 : i32
    %add3A_81 = arith.constant 1 : i32
    %add3A_82 = arith.addi %mul3A_80, %add3A_81 : i32
    %dma_wait3A_83 = arith.constant 0 : i32
    %dma_wait3A_84 = arith.constant 50 : i32
    %dma_wait3A_85 = arith.constant 0 : i32
    %dma_wait3A_86 = tpu.memref_slice %arg6[%dma_wait3A_83, %dma_wait3A_84, %dma_wait3A_85] : memref<8x100x128xf32, #tpu.memory_space<vmem>> -> memref<1x50x128xf32, #tpu.memory_space<vmem>>
    %dma_wait3A_87 = tpu.memref_squeeze %dma_wait3A_86 : memref<1x50x128xf32, #tpu.memory_space<vmem>> -> memref<50x128xf32, #tpu.memory_space<vmem>>
    %dma_wait3A_88 = arith.constant 0 : i32
    %dma_wait3A_89 = arith.constant 0 : i32
    %dma_wait3A_90 = tpu.memref_slice %arg4[%add3A_82, %dma_wait3A_88, %dma_wait3A_89] : memref<4096x50x128xf32, #tpu.memory_space<hbm>> -> memref<1x50x128xf32, #tpu.memory_space<hbm>>
    %dma_wait3A_91 = tpu.memref_squeeze %dma_wait3A_90 : memref<1x50x128xf32, #tpu.memory_space<hbm>> -> memref<50x128xf32, #tpu.memory_space<hbm>>
    %dma_wait3A_92 = arith.constant 0 : i32
    %dma_wait3A_93 = arith.constant 0 : i32
    %dma_wait3A_94 = tpu.memref_slice %arg4[%add3A_82, %dma_wait3A_92, %dma_wait3A_93] : memref<4096x50x128xf32, #tpu.memory_space<hbm>> -> memref<1x50x128xf32, #tpu.memory_space<hbm>>
    %dma_wait3A_95 = tpu.memref_squeeze %dma_wait3A_94 : memref<1x50x128xf32, #tpu.memory_space<hbm>> -> memref<50x128xf32, #tpu.memory_space<hbm>>
    %dma_wait3A_96 = arith.constant 50 : i32
    %dma_wait3A_97 = arith.constant 0 : i32
    %dma_wait3A_98 = tpu.memref_slice %arg6[%dma_wait3A_83, %dma_wait3A_96, %dma_wait3A_97] : memref<8x100x128xf32, #tpu.memory_space<vmem>> -> memref<1x50x128xf32, #tpu.memory_space<vmem>>
    %dma_wait3A_99 = tpu.memref_squeeze %dma_wait3A_98 : memref<1x50x128xf32, #tpu.memory_space<vmem>> -> memref<50x128xf32, #tpu.memory_space<vmem>>
    tpu.wait_dma2 semaphore(%arg15 : memref<!tpu.dma_semaphore, #tpu.memory_space<semaphore_mem>>) src(%dma_wait3A_99 : memref<50x128xf32, #tpu.memory_space<vmem>>) dst(%dma_wait3A_95 : memref<50x128xf32, #tpu.memory_space<hbm>>)
    %add3A_100 = arith.constant 60 : i32
    %add3A_101 = arith.addi %mul3A_2, %add3A_100 : i32
    %mul3A_102 = arith.constant 2 : i32
    %mul3A_103 = arith.muli %add3A_101, %mul3A_102 : i32
    %add3A_104 = arith.constant 0 : i32
    %add3A_105 = arith.addi %mul3A_103, %add3A_104 : i32
    %dma_wait3A_106 = arith.constant 4 : i32
    %dma_wait3A_107 = arith.constant 0 : i32
    %dma_wait3A_108 = arith.constant 0 : i32
    %dma_wait3A_109 = tpu.memref_slice %arg6[%dma_wait3A_106, %dma_wait3A_107, %dma_wait3A_108] : memref<8x100x128xf32, #tpu.memory_space<vmem>> -> memref<1x50x128xf32, #tpu.memory_space<vmem>>
    %dma_wait3A_110 = tpu.memref_squeeze %dma_wait3A_109 : memref<1x50x128xf32, #tpu.memory_space<vmem>> -> memref<50x128xf32, #tpu.memory_space<vmem>>
    %dma_wait3A_111 = arith.constant 0 : i32
    %dma_wait3A_112 = arith.constant 0 : i32
    %dma_wait3A_113 = tpu.memref_slice %arg4[%add3A_105, %dma_wait3A_111, %dma_wait3A_112] : memref<4096x50x128xf32, #tpu.memory_space<hbm>> -> memref<1x50x128xf32, #tpu.memory_space<hbm>>
    %dma_wait3A_114 = tpu.memref_squeeze %dma_wait3A_113 : memref<1x50x128xf32, #tpu.memory_space<hbm>> -> memref<50x128xf32, #tpu.memory_space<hbm>>
    %dma_wait3A_115 = arith.constant 0 : i32
    %dma_wait3A_116 = arith.constant 0 : i32
    %dma_wait3A_117 = tpu.memref_slice %arg4[%add3A_105, %dma_wait3A_115, %dma_wait3A_116] : memref<4096x50x128xf32, #tpu.memory_space<hbm>> -> memref<1x50x128xf32, #tpu.memory_space<hbm>>
    %dma_wait3A_118 = tpu.memref_squeeze %dma_wait3A_117 : memref<1x50x128xf32, #tpu.memory_space<hbm>> -> memref<50x128xf32, #tpu.memory_space<hbm>>
    %dma_wait3A_119 = arith.constant 0 : i32
    %dma_wait3A_120 = arith.constant 0 : i32
    %dma_wait3A_121 = tpu.memref_slice %arg6[%dma_wait3A_106, %dma_wait3A_119, %dma_wait3A_120] : memref<8x100x128xf32, #tpu.memory_space<vmem>> -> memref<1x50x128xf32, #tpu.memory_space<vmem>>
    %dma_wait3A_122 = tpu.memref_squeeze %dma_wait3A_121 : memref<1x50x128xf32, #tpu.memory_space<vmem>> -> memref<50x128xf32, #tpu.memory_space<vmem>>
    tpu.wait_dma2 semaphore(%arg19 : memref<!tpu.dma_semaphore, #tpu.memory_space<semaphore_mem>>) src(%dma_wait3A_122 : memref<50x128xf32, #tpu.memory_space<vmem>>) dst(%dma_wait3A_118 : memref<50x128xf32, #tpu.memory_space<hbm>>)
    %add3A_123 = arith.constant 60 : i32
    %add3A_124 = arith.addi %mul3A_2, %add3A_123 : i32
    %mul3A_125 = arith.constant 2 : i32
    %mul3A_126 = arith.muli %add3A_124, %mul3A_125 : i32
    %add3A_127 = arith.constant 1 : i32
    %add3A_128 = arith.addi %mul3A_126, %add3A_127 : i32
    %dma_wait3A_129 = arith.constant 4 : i32
    %dma_wait3A_130 = arith.constant 50 : i32
    %dma_wait3A_131 = arith.constant 0 : i32
    %dma_wait3A_132 = tpu.memref_slice %arg6[%dma_wait3A_129, %dma_wait3A_130, %dma_wait3A_131] : memref<8x100x128xf32, #tpu.memory_space<vmem>> -> memref<1x50x128xf32, #tpu.memory_space<vmem>>
    %dma_wait3A_133 = tpu.memref_squeeze %dma_wait3A_132 : memref<1x50x128xf32, #tpu.memory_space<vmem>> -> memref<50x128xf32, #tpu.memory_space<vmem>>
    %dma_wait3A_134 = arith.constant 0 : i32
    %dma_wait3A_135 = arith.constant 0 : i32
    %dma_wait3A_136 = tpu.memref_slice %arg4[%add3A_128, %dma_wait3A_134, %dma_wait3A_135] : memref<4096x50x128xf32, #tpu.memory_space<hbm>> -> memref<1x50x128xf32, #tpu.memory_space<hbm>>
    %dma_wait3A_137 = tpu.memref_squeeze %dma_wait3A_136 : memref<1x50x128xf32, #tpu.memory_space<hbm>> -> memref<50x128xf32, #tpu.memory_space<hbm>>
    %dma_wait3A_138 = arith.constant 0 : i32
    %dma_wait3A_139 = arith.constant 0 : i32
    %dma_wait3A_140 = tpu.memref_slice %arg4[%add3A_128, %dma_wait3A_138, %dma_wait3A_139] : memref<4096x50x128xf32, #tpu.memory_space<hbm>> -> memref<1x50x128xf32, #tpu.memory_space<hbm>>
    %dma_wait3A_141 = tpu.memref_squeeze %dma_wait3A_140 : memref<1x50x128xf32, #tpu.memory_space<hbm>> -> memref<50x128xf32, #tpu.memory_space<hbm>>
    %dma_wait3A_142 = arith.constant 50 : i32
    %dma_wait3A_143 = arith.constant 0 : i32
    %dma_wait3A_144 = tpu.memref_slice %arg6[%dma_wait3A_129, %dma_wait3A_142, %dma_wait3A_143] : memref<8x100x128xf32, #tpu.memory_space<vmem>> -> memref<1x50x128xf32, #tpu.memory_space<vmem>>
    %dma_wait3A_145 = tpu.memref_squeeze %dma_wait3A_144 : memref<1x50x128xf32, #tpu.memory_space<vmem>> -> memref<50x128xf32, #tpu.memory_space<vmem>>
    tpu.wait_dma2 semaphore(%arg19 : memref<!tpu.dma_semaphore, #tpu.memory_space<semaphore_mem>>) src(%dma_wait3A_145 : memref<50x128xf32, #tpu.memory_space<vmem>>) dst(%dma_wait3A_141 : memref<50x128xf32, #tpu.memory_space<hbm>>)
    %add3A_146 = arith.constant 57 : i32
    %add3A_147 = arith.addi %mul3A_2, %add3A_146 : i32
    %mul3A_148 = arith.constant 2 : i32
    %mul3A_149 = arith.muli %add3A_147, %mul3A_148 : i32
    %add3A_150 = arith.constant 0 : i32
    %add3A_151 = arith.addi %mul3A_149, %add3A_150 : i32
    %dma_wait3A_152 = arith.constant 1 : i32
    %dma_wait3A_153 = arith.constant 0 : i32
    %dma_wait3A_154 = arith.constant 0 : i32
    %dma_wait3A_155 = tpu.memref_slice %arg6[%dma_wait3A_152, %dma_wait3A_153, %dma_wait3A_154] : memref<8x100x128xf32, #tpu.memory_space<vmem>> -> memref<1x50x128xf32, #tpu.memory_space<vmem>>
    %dma_wait3A_156 = tpu.memref_squeeze %dma_wait3A_155 : memref<1x50x128xf32, #tpu.memory_space<vmem>> -> memref<50x128xf32, #tpu.memory_space<vmem>>
    %dma_wait3A_157 = arith.constant 0 : i32
    %dma_wait3A_158 = arith.constant 0 : i32
    %dma_wait3A_159 = tpu.memref_slice %arg4[%add3A_151, %dma_wait3A_157, %dma_wait3A_158] : memref<4096x50x128xf32, #tpu.memory_space<hbm>> -> memref<1x50x128xf32, #tpu.memory_space<hbm>>
    %dma_wait3A_160 = tpu.memref_squeeze %dma_wait3A_159 : memref<1x50x128xf32, #tpu.memory_space<hbm>> -> memref<50x128xf32, #tpu.memory_space<hbm>>
    %dma_wait3A_161 = arith.constant 0 : i32
    %dma_wait3A_162 = arith.constant 0 : i32
    %dma_wait3A_163 = tpu.memref_slice %arg4[%add3A_151, %dma_wait3A_161, %dma_wait3A_162] : memref<4096x50x128xf32, #tpu.memory_space<hbm>> -> memref<1x50x128xf32, #tpu.memory_space<hbm>>
    %dma_wait3A_164 = tpu.memref_squeeze %dma_wait3A_163 : memref<1x50x128xf32, #tpu.memory_space<hbm>> -> memref<50x128xf32, #tpu.memory_space<hbm>>
    %dma_wait3A_165 = arith.constant 0 : i32
    %dma_wait3A_166 = arith.constant 0 : i32
    %dma_wait3A_167 = tpu.memref_slice %arg6[%dma_wait3A_152, %dma_wait3A_165, %dma_wait3A_166] : memref<8x100x128xf32, #tpu.memory_space<vmem>> -> memref<1x50x128xf32, #tpu.memory_space<vmem>>
    %dma_wait3A_168 = tpu.memref_squeeze %dma_wait3A_167 : memref<1x50x128xf32, #tpu.memory_space<vmem>> -> memref<50x128xf32, #tpu.memory_space<vmem>>
    tpu.wait_dma2 semaphore(%arg16 : memref<!tpu.dma_semaphore, #tpu.memory_space<semaphore_mem>>) src(%dma_wait3A_168 : memref<50x128xf32, #tpu.memory_space<vmem>>) dst(%dma_wait3A_164 : memref<50x128xf32, #tpu.memory_space<hbm>>)
    %add3A_169 = arith.constant 57 : i32
    %add3A_170 = arith.addi %mul3A_2, %add3A_169 : i32
    %mul3A_171 = arith.constant 2 : i32
    %mul3A_172 = arith.muli %add3A_170, %mul3A_171 : i32
    %add3A_173 = arith.constant 1 : i32
    %add3A_174 = arith.addi %mul3A_172, %add3A_173 : i32
    %dma_wait3A_175 = arith.constant 1 : i32
    %dma_wait3A_176 = arith.constant 50 : i32
    %dma_wait3A_177 = arith.constant 0 : i32
    %dma_wait3A_178 = tpu.memref_slice %arg6[%dma_wait3A_175, %dma_wait3A_176, %dma_wait3A_177] : memref<8x100x128xf32, #tpu.memory_space<vmem>> -> memref<1x50x128xf32, #tpu.memory_space<vmem>>
    %dma_wait3A_179 = tpu.memref_squeeze %dma_wait3A_178 : memref<1x50x128xf32, #tpu.memory_space<vmem>> -> memref<50x128xf32, #tpu.memory_space<vmem>>
    %dma_wait3A_180 = arith.constant 0 : i32
    %dma_wait3A_181 = arith.constant 0 : i32
    %dma_wait3A_182 = tpu.memref_slice %arg4[%add3A_174, %dma_wait3A_180, %dma_wait3A_181] : memref<4096x50x128xf32, #tpu.memory_space<hbm>> -> memref<1x50x128xf32, #tpu.memory_space<hbm>>
    %dma_wait3A_183 = tpu.memref_squeeze %dma_wait3A_182 : memref<1x50x128xf32, #tpu.memory_space<hbm>> -> memref<50x128xf32, #tpu.memory_space<hbm>>
    %dma_wait3A_184 = arith.constant 0 : i32
    %dma_wait3A_185 = arith.constant 0 : i32
    %dma_wait3A_186 = tpu.memref_slice %arg4[%add3A_174, %dma_wait3A_184, %dma_wait3A_185] : memref<4096x50x128xf32, #tpu.memory_space<hbm>> -> memref<1x50x128xf32, #tpu.memory_space<hbm>>
    %dma_wait3A_187 = tpu.memref_squeeze %dma_wait3A_186 : memref<1x50x128xf32, #tpu.memory_space<hbm>> -> memref<50x128xf32, #tpu.memory_space<hbm>>
    %dma_wait3A_188 = arith.constant 50 : i32
    %dma_wait3A_189 = arith.constant 0 : i32
    %dma_wait3A_190 = tpu.memref_slice %arg6[%dma_wait3A_175, %dma_wait3A_188, %dma_wait3A_189] : memref<8x100x128xf32, #tpu.memory_space<vmem>> -> memref<1x50x128xf32, #tpu.memory_space<vmem>>
    %dma_wait3A_191 = tpu.memref_squeeze %dma_wait3A_190 : memref<1x50x128xf32, #tpu.memory_space<vmem>> -> memref<50x128xf32, #tpu.memory_space<vmem>>
    tpu.wait_dma2 semaphore(%arg16 : memref<!tpu.dma_semaphore, #tpu.memory_space<semaphore_mem>>) src(%dma_wait3A_191 : memref<50x128xf32, #tpu.memory_space<vmem>>) dst(%dma_wait3A_187 : memref<50x128xf32, #tpu.memory_space<hbm>>)
    %add3A_192 = arith.constant 61 : i32
    %add3A_193 = arith.addi %mul3A_2, %add3A_192 : i32
    %mul3A_194 = arith.constant 2 : i32
    %mul3A_195 = arith.muli %add3A_193, %mul3A_194 : i32
    %add3A_196 = arith.constant 0 : i32
    %add3A_197 = arith.addi %mul3A_195, %add3A_196 : i32
    %dma_wait3A_198 = arith.constant 5 : i32
    %dma_wait3A_199 = arith.constant 0 : i32
    %dma_wait3A_200 = arith.constant 0 : i32
    %dma_wait3A_201 = tpu.memref_slice %arg6[%dma_wait3A_198, %dma_wait3A_199, %dma_wait3A_200] : memref<8x100x128xf32, #tpu.memory_space<vmem>> -> memref<1x50x128xf32, #tpu.memory_space<vmem>>
    %dma_wait3A_202 = tpu.memref_squeeze %dma_wait3A_201 : memref<1x50x128xf32, #tpu.memory_space<vmem>> -> memref<50x128xf32, #tpu.memory_space<vmem>>
    %dma_wait3A_203 = arith.constant 0 : i32
    %dma_wait3A_204 = arith.constant 0 : i32
    %dma_wait3A_205 = tpu.memref_slice %arg4[%add3A_197, %dma_wait3A_203, %dma_wait3A_204] : memref<4096x50x128xf32, #tpu.memory_space<hbm>> -> memref<1x50x128xf32, #tpu.memory_space<hbm>>
    %dma_wait3A_206 = tpu.memref_squeeze %dma_wait3A_205 : memref<1x50x128xf32, #tpu.memory_space<hbm>> -> memref<50x128xf32, #tpu.memory_space<hbm>>
    %dma_wait3A_207 = arith.constant 0 : i32
    %dma_wait3A_208 = arith.constant 0 : i32
    %dma_wait3A_209 = tpu.memref_slice %arg4[%add3A_197, %dma_wait3A_207, %dma_wait3A_208] : memref<4096x50x128xf32, #tpu.memory_space<hbm>> -> memref<1x50x128xf32, #tpu.memory_space<hbm>>
    %dma_wait3A_210 = tpu.memref_squeeze %dma_wait3A_209 : memref<1x50x128xf32, #tpu.memory_space<hbm>> -> memref<50x128xf32, #tpu.memory_space<hbm>>
    %dma_wait3A_211 = arith.constant 0 : i32
    %dma_wait3A_212 = arith.constant 0 : i32
    %dma_wait3A_213 = tpu.memref_slice %arg6[%dma_wait3A_198, %dma_wait3A_211, %dma_wait3A_212] : memref<8x100x128xf32, #tpu.memory_space<vmem>> -> memref<1x50x128xf32, #tpu.memory_space<vmem>>
    %dma_wait3A_214 = tpu.memref_squeeze %dma_wait3A_213 : memref<1x50x128xf32, #tpu.memory_space<vmem>> -> memref<50x128xf32, #tpu.memory_space<vmem>>
    tpu.wait_dma2 semaphore(%arg20 : memref<!tpu.dma_semaphore, #tpu.memory_space<semaphore_mem>>) src(%dma_wait3A_214 : memref<50x128xf32, #tpu.memory_space<vmem>>) dst(%dma_wait3A_210 : memref<50x128xf32, #tpu.memory_space<hbm>>)
    %add3A_215 = arith.constant 61 : i32
    %add3A_216 = arith.addi %mul3A_2, %add3A_215 : i32
    %mul3A_217 = arith.constant 2 : i32
    %mul3A_218 = arith.muli %add3A_216, %mul3A_217 : i32
    %add3A_219 = arith.constant 1 : i32
    %add3A_220 = arith.addi %mul3A_218, %add3A_219 : i32
    %dma_wait3A_221 = arith.constant 5 : i32
    %dma_wait3A_222 = arith.constant 50 : i32
    %dma_wait3A_223 = arith.constant 0 : i32
    %dma_wait3A_224 = tpu.memref_slice %arg6[%dma_wait3A_221, %dma_wait3A_222, %dma_wait3A_223] : memref<8x100x128xf32, #tpu.memory_space<vmem>> -> memref<1x50x128xf32, #tpu.memory_space<vmem>>
    %dma_wait3A_225 = tpu.memref_squeeze %dma_wait3A_224 : memref<1x50x128xf32, #tpu.memory_space<vmem>> -> memref<50x128xf32, #tpu.memory_space<vmem>>
    %dma_wait3A_226 = arith.constant 0 : i32
    %dma_wait3A_227 = arith.constant 0 : i32
    %dma_wait3A_228 = tpu.memref_slice %arg4[%add3A_220, %dma_wait3A_226, %dma_wait3A_227] : memref<4096x50x128xf32, #tpu.memory_space<hbm>> -> memref<1x50x128xf32, #tpu.memory_space<hbm>>
    %dma_wait3A_229 = tpu.memref_squeeze %dma_wait3A_228 : memref<1x50x128xf32, #tpu.memory_space<hbm>> -> memref<50x128xf32, #tpu.memory_space<hbm>>
    %dma_wait3A_230 = arith.constant 0 : i32
    %dma_wait3A_231 = arith.constant 0 : i32
    %dma_wait3A_232 = tpu.memref_slice %arg4[%add3A_220, %dma_wait3A_230, %dma_wait3A_231] : memref<4096x50x128xf32, #tpu.memory_space<hbm>> -> memref<1x50x128xf32, #tpu.memory_space<hbm>>
    %dma_wait3A_233 = tpu.memref_squeeze %dma_wait3A_232 : memref<1x50x128xf32, #tpu.memory_space<hbm>> -> memref<50x128xf32, #tpu.memory_space<hbm>>
    %dma_wait3A_234 = arith.constant 50 : i32
    %dma_wait3A_235 = arith.constant 0 : i32
    %dma_wait3A_236 = tpu.memref_slice %arg6[%dma_wait3A_221, %dma_wait3A_234, %dma_wait3A_235] : memref<8x100x128xf32, #tpu.memory_space<vmem>> -> memref<1x50x128xf32, #tpu.memory_space<vmem>>
    %dma_wait3A_237 = tpu.memref_squeeze %dma_wait3A_236 : memref<1x50x128xf32, #tpu.memory_space<vmem>> -> memref<50x128xf32, #tpu.memory_space<vmem>>
    tpu.wait_dma2 semaphore(%arg20 : memref<!tpu.dma_semaphore, #tpu.memory_space<semaphore_mem>>) src(%dma_wait3A_237 : memref<50x128xf32, #tpu.memory_space<vmem>>) dst(%dma_wait3A_233 : memref<50x128xf32, #tpu.memory_space<hbm>>)
    %add3A_238 = arith.constant 58 : i32
    %add3A_239 = arith.addi %mul3A_2, %add3A_238 : i32
    %mul3A_240 = arith.constant 2 : i32
    %mul3A_241 = arith.muli %add3A_239, %mul3A_240 : i32
    %add3A_242 = arith.constant 0 : i32
    %add3A_243 = arith.addi %mul3A_241, %add3A_242 : i32
    %dma_wait3A_244 = arith.constant 2 : i32
    %dma_wait3A_245 = arith.constant 0 : i32
    %dma_wait3A_246 = arith.constant 0 : i32
    %dma_wait3A_247 = tpu.memref_slice %arg6[%dma_wait3A_244, %dma_wait3A_245, %dma_wait3A_246] : memref<8x100x128xf32, #tpu.memory_space<vmem>> -> memref<1x50x128xf32, #tpu.memory_space<vmem>>
    %dma_wait3A_248 = tpu.memref_squeeze %dma_wait3A_247 : memref<1x50x128xf32, #tpu.memory_space<vmem>> -> memref<50x128xf32, #tpu.memory_space<vmem>>
    %dma_wait3A_249 = arith.constant 0 : i32
    %dma_wait3A_250 = arith.constant 0 : i32
    %dma_wait3A_251 = tpu.memref_slice %arg4[%add3A_243, %dma_wait3A_249, %dma_wait3A_250] : memref<4096x50x128xf32, #tpu.memory_space<hbm>> -> memref<1x50x128xf32, #tpu.memory_space<hbm>>
    %dma_wait3A_252 = tpu.memref_squeeze %dma_wait3A_251 : memref<1x50x128xf32, #tpu.memory_space<hbm>> -> memref<50x128xf32, #tpu.memory_space<hbm>>
    %dma_wait3A_253 = arith.constant 0 : i32
    %dma_wait3A_254 = arith.constant 0 : i32
    %dma_wait3A_255 = tpu.memref_slice %arg4[%add3A_243, %dma_wait3A_253, %dma_wait3A_254] : memref<4096x50x128xf32, #tpu.memory_space<hbm>> -> memref<1x50x128xf32, #tpu.memory_space<hbm>>
    %dma_wait3A_256 = tpu.memref_squeeze %dma_wait3A_255 : memref<1x50x128xf32, #tpu.memory_space<hbm>> -> memref<50x128xf32, #tpu.memory_space<hbm>>
    %dma_wait3A_257 = arith.constant 0 : i32
    %dma_wait3A_258 = arith.constant 0 : i32
    %dma_wait3A_259 = tpu.memref_slice %arg6[%dma_wait3A_244, %dma_wait3A_257, %dma_wait3A_258] : memref<8x100x128xf32, #tpu.memory_space<vmem>> -> memref<1x50x128xf32, #tpu.memory_space<vmem>>
    %dma_wait3A_260 = tpu.memref_squeeze %dma_wait3A_259 : memref<1x50x128xf32, #tpu.memory_space<vmem>> -> memref<50x128xf32, #tpu.memory_space<vmem>>
    tpu.wait_dma2 semaphore(%arg17 : memref<!tpu.dma_semaphore, #tpu.memory_space<semaphore_mem>>) src(%dma_wait3A_260 : memref<50x128xf32, #tpu.memory_space<vmem>>) dst(%dma_wait3A_256 : memref<50x128xf32, #tpu.memory_space<hbm>>)
    %add3A_261 = arith.constant 58 : i32
    %add3A_262 = arith.addi %mul3A_2, %add3A_261 : i32
    %mul3A_263 = arith.constant 2 : i32
    %mul3A_264 = arith.muli %add3A_262, %mul3A_263 : i32
    %add3A_265 = arith.constant 1 : i32
    %add3A_266 = arith.addi %mul3A_264, %add3A_265 : i32
    %dma_wait3A_267 = arith.constant 2 : i32
    %dma_wait3A_268 = arith.constant 50 : i32
    %dma_wait3A_269 = arith.constant 0 : i32
    %dma_wait3A_270 = tpu.memref_slice %arg6[%dma_wait3A_267, %dma_wait3A_268, %dma_wait3A_269] : memref<8x100x128xf32, #tpu.memory_space<vmem>> -> memref<1x50x128xf32, #tpu.memory_space<vmem>>
    %dma_wait3A_271 = tpu.memref_squeeze %dma_wait3A_270 : memref<1x50x128xf32, #tpu.memory_space<vmem>> -> memref<50x128xf32, #tpu.memory_space<vmem>>
    %dma_wait3A_272 = arith.constant 0 : i32
    %dma_wait3A_273 = arith.constant 0 : i32
    %dma_wait3A_274 = tpu.memref_slice %arg4[%add3A_266, %dma_wait3A_272, %dma_wait3A_273] : memref<4096x50x128xf32, #tpu.memory_space<hbm>> -> memref<1x50x128xf32, #tpu.memory_space<hbm>>
    %dma_wait3A_275 = tpu.memref_squeeze %dma_wait3A_274 : memref<1x50x128xf32, #tpu.memory_space<hbm>> -> memref<50x128xf32, #tpu.memory_space<hbm>>
    %dma_wait3A_276 = arith.constant 0 : i32
    %dma_wait3A_277 = arith.constant 0 : i32
    %dma_wait3A_278 = tpu.memref_slice %arg4[%add3A_266, %dma_wait3A_276, %dma_wait3A_277] : memref<4096x50x128xf32, #tpu.memory_space<hbm>> -> memref<1x50x128xf32, #tpu.memory_space<hbm>>
    %dma_wait3A_279 = tpu.memref_squeeze %dma_wait3A_278 : memref<1x50x128xf32, #tpu.memory_space<hbm>> -> memref<50x128xf32, #tpu.memory_space<hbm>>
    %dma_wait3A_280 = arith.constant 50 : i32
    %dma_wait3A_281 = arith.constant 0 : i32
    %dma_wait3A_282 = tpu.memref_slice %arg6[%dma_wait3A_267, %dma_wait3A_280, %dma_wait3A_281] : memref<8x100x128xf32, #tpu.memory_space<vmem>> -> memref<1x50x128xf32, #tpu.memory_space<vmem>>
    %dma_wait3A_283 = tpu.memref_squeeze %dma_wait3A_282 : memref<1x50x128xf32, #tpu.memory_space<vmem>> -> memref<50x128xf32, #tpu.memory_space<vmem>>
    tpu.wait_dma2 semaphore(%arg17 : memref<!tpu.dma_semaphore, #tpu.memory_space<semaphore_mem>>) src(%dma_wait3A_283 : memref<50x128xf32, #tpu.memory_space<vmem>>) dst(%dma_wait3A_279 : memref<50x128xf32, #tpu.memory_space<hbm>>)
    %add3A_284 = arith.constant 62 : i32
    %add3A_285 = arith.addi %mul3A_2, %add3A_284 : i32
    %mul3A_286 = arith.constant 2 : i32
    %mul3A_287 = arith.muli %add3A_285, %mul3A_286 : i32
    %add3A_288 = arith.constant 0 : i32
    %add3A_289 = arith.addi %mul3A_287, %add3A_288 : i32
    %dma_wait3A_290 = arith.constant 6 : i32
    %dma_wait3A_291 = arith.constant 0 : i32
    %dma_wait3A_292 = arith.constant 0 : i32
    %dma_wait3A_293 = tpu.memref_slice %arg6[%dma_wait3A_290, %dma_wait3A_291, %dma_wait3A_292] : memref<8x100x128xf32, #tpu.memory_space<vmem>> -> memref<1x50x128xf32, #tpu.memory_space<vmem>>
    %dma_wait3A_294 = tpu.memref_squeeze %dma_wait3A_293 : memref<1x50x128xf32, #tpu.memory_space<vmem>> -> memref<50x128xf32, #tpu.memory_space<vmem>>
    %dma_wait3A_295 = arith.constant 0 : i32
    %dma_wait3A_296 = arith.constant 0 : i32
    %dma_wait3A_297 = tpu.memref_slice %arg4[%add3A_289, %dma_wait3A_295, %dma_wait3A_296] : memref<4096x50x128xf32, #tpu.memory_space<hbm>> -> memref<1x50x128xf32, #tpu.memory_space<hbm>>
    %dma_wait3A_298 = tpu.memref_squeeze %dma_wait3A_297 : memref<1x50x128xf32, #tpu.memory_space<hbm>> -> memref<50x128xf32, #tpu.memory_space<hbm>>
    %dma_wait3A_299 = arith.constant 0 : i32
    %dma_wait3A_300 = arith.constant 0 : i32
    %dma_wait3A_301 = tpu.memref_slice %arg4[%add3A_289, %dma_wait3A_299, %dma_wait3A_300] : memref<4096x50x128xf32, #tpu.memory_space<hbm>> -> memref<1x50x128xf32, #tpu.memory_space<hbm>>
    %dma_wait3A_302 = tpu.memref_squeeze %dma_wait3A_301 : memref<1x50x128xf32, #tpu.memory_space<hbm>> -> memref<50x128xf32, #tpu.memory_space<hbm>>
    %dma_wait3A_303 = arith.constant 0 : i32
    %dma_wait3A_304 = arith.constant 0 : i32
    %dma_wait3A_305 = tpu.memref_slice %arg6[%dma_wait3A_290, %dma_wait3A_303, %dma_wait3A_304] : memref<8x100x128xf32, #tpu.memory_space<vmem>> -> memref<1x50x128xf32, #tpu.memory_space<vmem>>
    %dma_wait3A_306 = tpu.memref_squeeze %dma_wait3A_305 : memref<1x50x128xf32, #tpu.memory_space<vmem>> -> memref<50x128xf32, #tpu.memory_space<vmem>>
    tpu.wait_dma2 semaphore(%arg21 : memref<!tpu.dma_semaphore, #tpu.memory_space<semaphore_mem>>) src(%dma_wait3A_306 : memref<50x128xf32, #tpu.memory_space<vmem>>) dst(%dma_wait3A_302 : memref<50x128xf32, #tpu.memory_space<hbm>>)
    %add3A_307 = arith.constant 62 : i32
    %add3A_308 = arith.addi %mul3A_2, %add3A_307 : i32
    %mul3A_309 = arith.constant 2 : i32
    %mul3A_310 = arith.muli %add3A_308, %mul3A_309 : i32
    %add3A_311 = arith.constant 1 : i32
    %add3A_312 = arith.addi %mul3A_310, %add3A_311 : i32
    %dma_wait3A_313 = arith.constant 6 : i32
    %dma_wait3A_314 = arith.constant 50 : i32
    %dma_wait3A_315 = arith.constant 0 : i32
    %dma_wait3A_316 = tpu.memref_slice %arg6[%dma_wait3A_313, %dma_wait3A_314, %dma_wait3A_315] : memref<8x100x128xf32, #tpu.memory_space<vmem>> -> memref<1x50x128xf32, #tpu.memory_space<vmem>>
    %dma_wait3A_317 = tpu.memref_squeeze %dma_wait3A_316 : memref<1x50x128xf32, #tpu.memory_space<vmem>> -> memref<50x128xf32, #tpu.memory_space<vmem>>
    %dma_wait3A_318 = arith.constant 0 : i32
    %dma_wait3A_319 = arith.constant 0 : i32
    %dma_wait3A_320 = tpu.memref_slice %arg4[%add3A_312, %dma_wait3A_318, %dma_wait3A_319] : memref<4096x50x128xf32, #tpu.memory_space<hbm>> -> memref<1x50x128xf32, #tpu.memory_space<hbm>>
    %dma_wait3A_321 = tpu.memref_squeeze %dma_wait3A_320 : memref<1x50x128xf32, #tpu.memory_space<hbm>> -> memref<50x128xf32, #tpu.memory_space<hbm>>
    %dma_wait3A_322 = arith.constant 0 : i32
    %dma_wait3A_323 = arith.constant 0 : i32
    %dma_wait3A_324 = tpu.memref_slice %arg4[%add3A_312, %dma_wait3A_322, %dma_wait3A_323] : memref<4096x50x128xf32, #tpu.memory_space<hbm>> -> memref<1x50x128xf32, #tpu.memory_space<hbm>>
    %dma_wait3A_325 = tpu.memref_squeeze %dma_wait3A_324 : memref<1x50x128xf32, #tpu.memory_space<hbm>> -> memref<50x128xf32, #tpu.memory_space<hbm>>
    %dma_wait3A_326 = arith.constant 50 : i32
    %dma_wait3A_327 = arith.constant 0 : i32
    %dma_wait3A_328 = tpu.memref_slice %arg6[%dma_wait3A_313, %dma_wait3A_326, %dma_wait3A_327] : memref<8x100x128xf32, #tpu.memory_space<vmem>> -> memref<1x50x128xf32, #tpu.memory_space<vmem>>
    %dma_wait3A_329 = tpu.memref_squeeze %dma_wait3A_328 : memref<1x50x128xf32, #tpu.memory_space<vmem>> -> memref<50x128xf32, #tpu.memory_space<vmem>>
    tpu.wait_dma2 semaphore(%arg21 : memref<!tpu.dma_semaphore, #tpu.memory_space<semaphore_mem>>) src(%dma_wait3A_329 : memref<50x128xf32, #tpu.memory_space<vmem>>) dst(%dma_wait3A_325 : memref<50x128xf32, #tpu.memory_space<hbm>>)
    %add3A_330 = arith.constant 59 : i32
    %add3A_331 = arith.addi %mul3A_2, %add3A_330 : i32
    %mul3A_332 = arith.constant 2 : i32
    %mul3A_333 = arith.muli %add3A_331, %mul3A_332 : i32
    %add3A_334 = arith.constant 0 : i32
    %add3A_335 = arith.addi %mul3A_333, %add3A_334 : i32
    %dma_wait3A_336 = arith.constant 3 : i32
    %dma_wait3A_337 = arith.constant 0 : i32
    %dma_wait3A_338 = arith.constant 0 : i32
    %dma_wait3A_339 = tpu.memref_slice %arg6[%dma_wait3A_336, %dma_wait3A_337, %dma_wait3A_338] : memref<8x100x128xf32, #tpu.memory_space<vmem>> -> memref<1x50x128xf32, #tpu.memory_space<vmem>>
    %dma_wait3A_340 = tpu.memref_squeeze %dma_wait3A_339 : memref<1x50x128xf32, #tpu.memory_space<vmem>> -> memref<50x128xf32, #tpu.memory_space<vmem>>
    %dma_wait3A_341 = arith.constant 0 : i32
    %dma_wait3A_342 = arith.constant 0 : i32
    %dma_wait3A_343 = tpu.memref_slice %arg4[%add3A_335, %dma_wait3A_341, %dma_wait3A_342] : memref<4096x50x128xf32, #tpu.memory_space<hbm>> -> memref<1x50x128xf32, #tpu.memory_space<hbm>>
    %dma_wait3A_344 = tpu.memref_squeeze %dma_wait3A_343 : memref<1x50x128xf32, #tpu.memory_space<hbm>> -> memref<50x128xf32, #tpu.memory_space<hbm>>
    %dma_wait3A_345 = arith.constant 0 : i32
    %dma_wait3A_346 = arith.constant 0 : i32
    %dma_wait3A_347 = tpu.memref_slice %arg4[%add3A_335, %dma_wait3A_345, %dma_wait3A_346] : memref<4096x50x128xf32, #tpu.memory_space<hbm>> -> memref<1x50x128xf32, #tpu.memory_space<hbm>>
    %dma_wait3A_348 = tpu.memref_squeeze %dma_wait3A_347 : memref<1x50x128xf32, #tpu.memory_space<hbm>> -> memref<50x128xf32, #tpu.memory_space<hbm>>
    %dma_wait3A_349 = arith.constant 0 : i32
    %dma_wait3A_350 = arith.constant 0 : i32
    %dma_wait3A_351 = tpu.memref_slice %arg6[%dma_wait3A_336, %dma_wait3A_349, %dma_wait3A_350] : memref<8x100x128xf32, #tpu.memory_space<vmem>> -> memref<1x50x128xf32, #tpu.memory_space<vmem>>
    %dma_wait3A_352 = tpu.memref_squeeze %dma_wait3A_351 : memref<1x50x128xf32, #tpu.memory_space<vmem>> -> memref<50x128xf32, #tpu.memory_space<vmem>>
    tpu.wait_dma2 semaphore(%arg18 : memref<!tpu.dma_semaphore, #tpu.memory_space<semaphore_mem>>) src(%dma_wait3A_352 : memref<50x128xf32, #tpu.memory_space<vmem>>) dst(%dma_wait3A_348 : memref<50x128xf32, #tpu.memory_space<hbm>>)
    %add3A_353 = arith.constant 59 : i32
    %add3A_354 = arith.addi %mul3A_2, %add3A_353 : i32
    %mul3A_355 = arith.constant 2 : i32
    %mul3A_356 = arith.muli %add3A_354, %mul3A_355 : i32
    %add3A_357 = arith.constant 1 : i32
    %add3A_358 = arith.addi %mul3A_356, %add3A_357 : i32
    %dma_wait3A_359 = arith.constant 3 : i32
    %dma_wait3A_360 = arith.constant 50 : i32
    %dma_wait3A_361 = arith.constant 0 : i32
    %dma_wait3A_362 = tpu.memref_slice %arg6[%dma_wait3A_359, %dma_wait3A_360, %dma_wait3A_361] : memref<8x100x128xf32, #tpu.memory_space<vmem>> -> memref<1x50x128xf32, #tpu.memory_space<vmem>>
    %dma_wait3A_363 = tpu.memref_squeeze %dma_wait3A_362 : memref<1x50x128xf32, #tpu.memory_space<vmem>> -> memref<50x128xf32, #tpu.memory_space<vmem>>
    %dma_wait3A_364 = arith.constant 0 : i32
    %dma_wait3A_365 = arith.constant 0 : i32
    %dma_wait3A_366 = tpu.memref_slice %arg4[%add3A_358, %dma_wait3A_364, %dma_wait3A_365] : memref<4096x50x128xf32, #tpu.memory_space<hbm>> -> memref<1x50x128xf32, #tpu.memory_space<hbm>>
    %dma_wait3A_367 = tpu.memref_squeeze %dma_wait3A_366 : memref<1x50x128xf32, #tpu.memory_space<hbm>> -> memref<50x128xf32, #tpu.memory_space<hbm>>
    %dma_wait3A_368 = arith.constant 0 : i32
    %dma_wait3A_369 = arith.constant 0 : i32
    %dma_wait3A_370 = tpu.memref_slice %arg4[%add3A_358, %dma_wait3A_368, %dma_wait3A_369] : memref<4096x50x128xf32, #tpu.memory_space<hbm>> -> memref<1x50x128xf32, #tpu.memory_space<hbm>>
    %dma_wait3A_371 = tpu.memref_squeeze %dma_wait3A_370 : memref<1x50x128xf32, #tpu.memory_space<hbm>> -> memref<50x128xf32, #tpu.memory_space<hbm>>
    %dma_wait3A_372 = arith.constant 50 : i32
    %dma_wait3A_373 = arith.constant 0 : i32
    %dma_wait3A_374 = tpu.memref_slice %arg6[%dma_wait3A_359, %dma_wait3A_372, %dma_wait3A_373] : memref<8x100x128xf32, #tpu.memory_space<vmem>> -> memref<1x50x128xf32, #tpu.memory_space<vmem>>
    %dma_wait3A_375 = tpu.memref_squeeze %dma_wait3A_374 : memref<1x50x128xf32, #tpu.memory_space<vmem>> -> memref<50x128xf32, #tpu.memory_space<vmem>>
    tpu.wait_dma2 semaphore(%arg18 : memref<!tpu.dma_semaphore, #tpu.memory_space<semaphore_mem>>) src(%dma_wait3A_375 : memref<50x128xf32, #tpu.memory_space<vmem>>) dst(%dma_wait3A_371 : memref<50x128xf32, #tpu.memory_space<hbm>>)
    %add3A_376 = arith.constant 63 : i32
    %add3A_377 = arith.addi %mul3A_2, %add3A_376 : i32
    %mul3A_378 = arith.constant 2 : i32
    %mul3A_379 = arith.muli %add3A_377, %mul3A_378 : i32
    %add3A_380 = arith.constant 0 : i32
    %add3A_381 = arith.addi %mul3A_379, %add3A_380 : i32
    %dma_wait3A_382 = arith.constant 7 : i32
    %dma_wait3A_383 = arith.constant 0 : i32
    %dma_wait3A_384 = arith.constant 0 : i32
    %dma_wait3A_385 = tpu.memref_slice %arg6[%dma_wait3A_382, %dma_wait3A_383, %dma_wait3A_384] : memref<8x100x128xf32, #tpu.memory_space<vmem>> -> memref<1x50x128xf32, #tpu.memory_space<vmem>>
    %dma_wait3A_386 = tpu.memref_squeeze %dma_wait3A_385 : memref<1x50x128xf32, #tpu.memory_space<vmem>> -> memref<50x128xf32, #tpu.memory_space<vmem>>
    %dma_wait3A_387 = arith.constant 0 : i32
    %dma_wait3A_388 = arith.constant 0 : i32
    %dma_wait3A_389 = tpu.memref_slice %arg4[%add3A_381, %dma_wait3A_387, %dma_wait3A_388] : memref<4096x50x128xf32, #tpu.memory_space<hbm>> -> memref<1x50x128xf32, #tpu.memory_space<hbm>>
    %dma_wait3A_390 = tpu.memref_squeeze %dma_wait3A_389 : memref<1x50x128xf32, #tpu.memory_space<hbm>> -> memref<50x128xf32, #tpu.memory_space<hbm>>
    %dma_wait3A_391 = arith.constant 0 : i32
    %dma_wait3A_392 = arith.constant 0 : i32
    %dma_wait3A_393 = tpu.memref_slice %arg4[%add3A_381, %dma_wait3A_391, %dma_wait3A_392] : memref<4096x50x128xf32, #tpu.memory_space<hbm>> -> memref<1x50x128xf32, #tpu.memory_space<hbm>>
    %dma_wait3A_394 = tpu.memref_squeeze %dma_wait3A_393 : memref<1x50x128xf32, #tpu.memory_space<hbm>> -> memref<50x128xf32, #tpu.memory_space<hbm>>
    %dma_wait3A_395 = arith.constant 0 : i32
    %dma_wait3A_396 = arith.constant 0 : i32
    %dma_wait3A_397 = tpu.memref_slice %arg6[%dma_wait3A_382, %dma_wait3A_395, %dma_wait3A_396] : memref<8x100x128xf32, #tpu.memory_space<vmem>> -> memref<1x50x128xf32, #tpu.memory_space<vmem>>
    %dma_wait3A_398 = tpu.memref_squeeze %dma_wait3A_397 : memref<1x50x128xf32, #tpu.memory_space<vmem>> -> memref<50x128xf32, #tpu.memory_space<vmem>>
    tpu.wait_dma2 semaphore(%arg22 : memref<!tpu.dma_semaphore, #tpu.memory_space<semaphore_mem>>) src(%dma_wait3A_398 : memref<50x128xf32, #tpu.memory_space<vmem>>) dst(%dma_wait3A_394 : memref<50x128xf32, #tpu.memory_space<hbm>>)
    %add3A_399 = arith.constant 63 : i32
    %add3A_400 = arith.addi %mul3A_2, %add3A_399 : i32
    %mul3A_401 = arith.constant 2 : i32
    %mul3A_402 = arith.muli %add3A_400, %mul3A_401 : i32
    %add3A_403 = arith.constant 1 : i32
    %add3A_404 = arith.addi %mul3A_402, %add3A_403 : i32
    %dma_wait3A_405 = arith.constant 7 : i32
    %dma_wait3A_406 = arith.constant 50 : i32
    %dma_wait3A_407 = arith.constant 0 : i32
    %dma_wait3A_408 = tpu.memref_slice %arg6[%dma_wait3A_405, %dma_wait3A_406, %dma_wait3A_407] : memref<8x100x128xf32, #tpu.memory_space<vmem>> -> memref<1x50x128xf32, #tpu.memory_space<vmem>>
    %dma_wait3A_409 = tpu.memref_squeeze %dma_wait3A_408 : memref<1x50x128xf32, #tpu.memory_space<vmem>> -> memref<50x128xf32, #tpu.memory_space<vmem>>
    %dma_wait3A_410 = arith.constant 0 : i32
    %dma_wait3A_411 = arith.constant 0 : i32
    %dma_wait3A_412 = tpu.memref_slice %arg4[%add3A_404, %dma_wait3A_410, %dma_wait3A_411] : memref<4096x50x128xf32, #tpu.memory_space<hbm>> -> memref<1x50x128xf32, #tpu.memory_space<hbm>>
    %dma_wait3A_413 = tpu.memref_squeeze %dma_wait3A_412 : memref<1x50x128xf32, #tpu.memory_space<hbm>> -> memref<50x128xf32, #tpu.memory_space<hbm>>
    %dma_wait3A_414 = arith.constant 0 : i32
    %dma_wait3A_415 = arith.constant 0 : i32
    %dma_wait3A_416 = tpu.memref_slice %arg4[%add3A_404, %dma_wait3A_414, %dma_wait3A_415] : memref<4096x50x128xf32, #tpu.memory_space<hbm>> -> memref<1x50x128xf32, #tpu.memory_space<hbm>>
    %dma_wait3A_417 = tpu.memref_squeeze %dma_wait3A_416 : memref<1x50x128xf32, #tpu.memory_space<hbm>> -> memref<50x128xf32, #tpu.memory_space<hbm>>
    %dma_wait3A_418 = arith.constant 50 : i32
    %dma_wait3A_419 = arith.constant 0 : i32
    %dma_wait3A_420 = tpu.memref_slice %arg6[%dma_wait3A_405, %dma_wait3A_418, %dma_wait3A_419] : memref<8x100x128xf32, #tpu.memory_space<vmem>> -> memref<1x50x128xf32, #tpu.memory_space<vmem>>
    %dma_wait3A_421 = tpu.memref_squeeze %dma_wait3A_420 : memref<1x50x128xf32, #tpu.memory_space<vmem>> -> memref<50x128xf32, #tpu.memory_space<vmem>>
    tpu.wait_dma2 semaphore(%arg22 : memref<!tpu.dma_semaphore, #tpu.memory_space<semaphore_mem>>) src(%dma_wait3A_421 : memref<50x128xf32, #tpu.memory_space<vmem>>) dst(%dma_wait3A_417 : memref<50x128xf32, #tpu.memory_space<hbm>>)
    return
  }
}

</mosaic_0001>

<sc_bundles>
// kernel: kernel.3.cloned.1.call-start
scs
__scs_entry_jumppad:
0x0: {  	(pc) =	sbr.rel $0x88, $3  }
0x1: {  	(tag) =	ssettag $0x0;
	lr =	simm.s32 $0x1  }
0x2: {  	[smem:$0x3F9F] =	sst lr;
	_ =	strace $0xD0000000  }
0x3: {  	_ = 	snop  }
0x4: {  	_ = 	snop  }
0x5: {  	_ = 	snop  }
0x6: {  	_ = 	snop  }
0x7: {  	_ = 	snop  }
__scs_overlays_trampoline_lowered:
0x8: {  	[smem:$0x3FAE] =	sst s0  }
0x9: {  	[smem:$0x3FAF] =	sst s1  }
0xa: {  	[smem:$0x3FB0] =	sst s2  }
0xb: {  	[smem:$0x3FB1] =	sst s3  }
0xc: {  	[smem:$0x3FB2] =	sst s4  }
0xd: {  	[smem:$0x3FB3] =	sst s5  }
0xe: {  	[smem:$0x3FB4] =	sst s6  }
0xf: {  	[smem:$0x3FB5] =	sst s7  }
0x10: {  	[smem:$0x3FB6] =	sst s8  }
0x11: {  	[smem:$0x3FB7] =	sst s9;
	s0 =	simm.s32 @!p0 $0x0  }
0x12: {  	s1 =	sld [smem:$0x3F9D];
	s0 =	simm.s32 @p0 $0x1  }
0x13: {  	[smem:$0x3FB8] =	sst s0;
	s0 =	simm.s32 @!p1 $0x0  }
0x14: {  	s2 =	sld [smem:$0x3F9C];
	s0 =	simm.s32 @p1 $0x1  }
0x15: {  	[smem:$0x3FB9] =	sst s0;
	s0 =	simm.s32 @!p2 $0x0  }
0x16: {  	s3 =	sld [smem:$0x3FDB];
	s0 =	simm.s32 @p2 $0x1  }
0x17: {  	s4 =	simm.s32 $0x1BF5;
	[smem:$0x3FBB] =	sst s0  }
0x18: {  	s0 =	sld [smem:$0x3F9E];
	_ =	swait.ge [sflag:s4], $0x0  }
0x19: {  	s7 =	sld [smem:$0x3F9F]  }
0x1a: {  	s8 =	sadd.s32 $0xFFFFE003, lr  }
0x1b: {  	s9 =	sadd.s32 $0xFFFFFEF7, lr;
	s5 =	simm.s32 $0xFFFFFFFF;
	p2 =	slt.u32 s8, $0xFFFFF086  }
0x1c: {  	p1 =	slt.u32 s9, $0xF7A;
	s5 =	simm.s32 @!p2 $0x0  }
0x1d: {  	s5 =	simm.s32 @p1 $0x1;
	p0 =	seq.s32 s7, s2  }
0x1e: {  	s7 =	smul.u32 @!p0 $0xF7A, s2;
	p2 =	seq.s32 @!p0 s5, $0x0  }
0x1f: {  	s9 =	smul.u32 $0xF7A, s1;
	s8 =	simm.s32 @!p0 $0x1BF5;
	p2 =	por !p2, p0  }
0x20: {  	[sflag:s8] =	ssyncset.s32 @!p0 $0xFFFFF086;
	s6 =	sadd.s32 @!p0 s3, s7;
	s7 =	simm.s32 @!p0 $0x108  }
0x21: {  	s3 =	sadd.s32 s3, s9;
	s6 =	sadd.s32 @!p0 $0x88, s6;
	s7 =	simm.s32 @p2 $0x1082  }
0x22: {  	[simem:s7], [sflag:s8] =	dma.local @!p0 [hbm:s6], $0xF7A  }
0x23: {  	s9 =	sor.u32 $0xD0000000, s2;
	s6 =	simm.s32 $0x108;
	_ =	swait.ge @!p0 [sflag:s8], $0x0  }
0x24: {  	s3 =	sadd.s32 $0x88, s3;
	s6 =	simm.s32 @!p1 $0x1082;
	[sflag:s4] =	ssyncset.s32 $0xFFFFF086  }
0x25: {  	[simem:s6], [sflag:s4] =	dma.local [hbm:s3], $0xF7A  }
0x26: {  	[smem:$0x3F9F] =	sst s1;
	(tag) =	ssettag s2;
	_ =	strace s9  }
0x27: {  	s1 =	sld [smem:$0x3FAF]  }
0x28: {  	s2 =	sld [smem:$0x3FB0]  }
0x29: {  	s4 =	sld [smem:$0x3FB2]  }
0x2a: {  	p0 =	seq.s32 s5, $0x0;
	s5 =	sld [smem:$0x3FB3]  }
0x2b: {  	s6 =	sld [smem:$0x3FB4]  }
0x2c: {  	s7 =	sld [smem:$0x3FB5]  }
0x2d: {  	s3 =	simm.s32 $0x108;
	s8 =	sld [smem:$0x3FB6]  }
0x2e: {  	s3 =	simm.s32 @!p0 $0x1082;
	s9 =	sld [smem:$0x3FB7]  }
0x2f: {  	lr =	sadd.s32 s0, s3;
	s0 =	sld [smem:$0x3FAE]  }
0x30: {  	s3 =	sld [smem:$0x3FB1]  }
0x31: {  	[smem:$0x3FBA] =	sst s10  }
0x32: {  	s10 =	sld [smem:$0x3FB8];
	_ =	sdelay $0x3  }
0x33: {  	p0 =	seq.s32 s10, $0x1;
	s10 =	sld [smem:$0x3FBA];
	_ =	sdelay $0x3  }
0x34: {  	[smem:$0x3FBA] =	sst s10  }
0x35: {  	s10 =	sld [smem:$0x3FB9];
	_ =	sdelay $0x3  }
0x36: {  	p1 =	seq.s32 s10, $0x1;
	s10 =	sld [smem:$0x3FBA];
	_ =	sdelay $0x3  }
0x37: {  	[smem:$0x3FBA] =	sst s10  }
0x38: {  	s10 =	sld [smem:$0x3FBB]  }
0x39: {  	_ = 	snop;
	(pc) =	sbr.ind lr, $3  }
0x3a: {  	_ = 	snop  }
0x3b: {  	_ = 	snop  }
0x3c: {  	p2 =	seq.s32 s10, $0x1;
	s10 =	sld [smem:$0x3FBA]  }
0x3d: {  	_ =	shalt  }
0x3e: {  	_ =	shalt  }
0x3f: {  	_ =	shalt  }
0x40: {  	_ =	shalt  }
0x41: {  	_ =	shalt  }
0x42: {  	_ =	shalt  }
0x43: {  	_ =	shalt  }
0x44: {  	_ =	shalt  }
0x45: {  	_ =	shalt  }
0x46: {  	_ =	shalt  }
0x47: {  	_ =	shalt  }
0x48: {  	_ =	shalt  }
0x49: {  	_ =	shalt  }
0x4a: {  	_ =	shalt  }
0x4b: {  	_ =	shalt  }
0x4c: {  	_ =	shalt  }
0x4d: {  	_ =	shalt  }
0x4e: {  	_ =	shalt  }
0x4f: {  	_ =	shalt  }
0x50: {  	_ =	shalt  }
0x51: {  	_ =	shalt  }
0x52: {  	_ =	shalt  }
0x53: {  	_ =	shalt  }
0x54: {  	_ =	shalt  }
0x55: {  	_ =	shalt  }
0x56: {  	_ =	shalt  }
0x57: {  	_ =	shalt  }
0x58: {  	_ =	shalt  }
0x59: {  	_ =	shalt  }
0x5a: {  	_ =	shalt  }
0x5b: {  	_ =	shalt  }
0x5c: {  	_ =	shalt  }
0x5d: {  	_ =	shalt  }
0x5e: {  	_ =	shalt  }
0x5f: {  	_ =	shalt  }
0x60: {  	_ =	shalt  }
0x61: {  	_ =	shalt  }
0x62: {  	_ =	shalt  }
0x63: {  	_ =	shalt  }
0x64: {  	_ =	shalt  }
0x65: {  	_ =	shalt  }
0x66: {  	_ =	shalt  }
0x67: {  	_ =	shalt  }
0x68: {  	_ =	shalt  }
0x69: {  	_ =	shalt  }
0x6a: {  	_ =	shalt  }
0x6b: {  	_ =	shalt  }
0x6c: {  	_ =	shalt  }
0x6d: {  	_ =	shalt  }
0x6e: {  	_ =	shalt  }
0x6f: {  	_ =	shalt  }
0x70: {  	_ =	shalt  }
0x71: {  	_ =	shalt  }
0x72: {  	_ =	shalt  }
0x73: {  	_ =	shalt  }
0x74: {  	_ =	shalt  }
0x75: {  	_ =	shalt  }
0x76: {  	_ =	shalt  }
0x77: {  	_ =	shalt  }
0x78: {  	_ =	shalt  }
0x79: {  	_ =	shalt  }
0x7a: {  	_ =	shalt  }
0x7b: {  	_ =	shalt  }
0x7c: {  	_ =	shalt  }
0x7d: {  	_ =	shalt  }
0x7e: {  	_ =	shalt  }
0x7f: {  	_ =	shalt  }
0x80: {  	_ =	shalt  }
0x81: {  	_ =	shalt  }
0x82: {  	_ =	shalt  }
0x83: {  	_ =	shalt  }
0x84: {  	_ =	shalt  }
0x85: {  	_ =	shalt  }
0x86: {  	_ =	shalt  }
0x87: {  	_ =	shalt  }
.Lfunc_end0:
.L_simem_size_0:
called_computation_lowered:
.L_overlay_start_0:
0x88: {  	s2 =	sld [smem:$0x3FD9]  }
0x89: {  	s3 =	sld [smem:$0x3FFE];
	_ =	sdelay $0x1  }
0x8a: {  	s1 =	srdreg.scid  }
0x8b: {  	s0 =	sand.u32 $0x1, s1  }
0x8c: {  	s17 =	sshll.u32 s0, $0xA;
	s2 =	sadd.s32 s3, s2  }
0x8d: {  	s2 =	sadd.s32 s2, s17  }
0x8e: {  	[smem:$0x3FC6] =	sst s2  }
0x8f: {  	_ = 	snop  }
0x90: {  	s2 =	sld [smem:$0x3FC8]  }
0x91: {  	s18 =	sld [smem:$0x3FD0];
	(tm) =	ssettm $0x1  }
0x92: {  	s4 =	sld [smem:$0x3FFB];
	_ =	sdelay $0x3  }
0x93: {  	_ =	strace s4  }
0x94: {  	s4 =	sld [smem:$0x3FFC];
	_ =	sdelay $0x3  }
0x95: {  	_ =	strace s4  }
0x96: {  	s4 =	sld [smem:$0x3FFD];
	_ =	sdelay $0x3  }
0x97: {  	_ =	strace s4  }
0x98: {  	_ =	strace $0x8FFFFFFF  }
0x99: {  	s19 =	sld [smem:$0x3FDB];
	_ =	sdelay $0x1  }
0x9a: {  	s5 =	simm.s32 $_scs_section_size  }
0x9b: {  	s6 =	simm.s32 $_size__tile_overlayer_lowered;
	s7 =	simm.s32 $_tile_overlayer_lowered  }
0x9c: {  	s22 =	simm.s32 $0x1BFF;
	s21 =	sshll.u32 s7, $0x1;
	s4 =	sadd.s32 s5, s19  }
0x9d: {  	s8 =	simm.s32 $0x0;
	s20 =	sshll.u32 s6, $0x1;
	s6 =	sadd.s32 s21, s4  }
0x9e: {  	[timem:s8], [sflag:s22] =	dma.local [hbm:s6], s20  }
0x9f: {  	_ =	swait.ge [sflag:s22], s20  }
0xa0: {  	s5 =	ssub.s32 $0x0, s20;
	[sflag:s22] =	ssyncset.done $0x0  }
0xa1: {  	[sflag:s22] =	ssyncadd.s32 s5;
	_ =	sdelay $0x1  }
0xa2: {  	s23 =	simm.s32 $0x1B8B  }
0xa3: {  	_ =	swait.ge [sflag:s23], $0x1  }
0xa4: {  	[sflag:s23] =	ssyncset.done $0x0  }
0xa5: {  	s25 =	simm.s32 $0x1B8E;
	s24 =	sld [smem:$0x3FFE];
	[sflag:s23] =	ssyncadd.s32 $0xFFFFFFFF  }
0xa6: {  	s26 =	simm.s32 $execute0_lowered;
	[smem:$0x3FD2] =	sst s25  }
0xa7: {  	s6 =	sshll.u32 s26, $0x1;
	_ =	strace $0x80000046;
	[dreg:$0x1] =	wrdreg $0xFFFFFFFF  }
0xa8: {  	s28 =	simm.s32 $_size_execute0_lowered;
	s4 =	sadd.s32 s4, s6;
	[dreg:$0x0] =	wrdreg $0x0  }
0xa9: {  	s6 =	sshll.u32 s28, $0x1;
	[dreg:$0x2] =	wrdreg s4  }
0xaa: {  	[dreg:$0x3] =	wrdreg s6  }
0xab: {  	[dreg:$0x4] =	wrdreg $0xC0  }
0xac: {  	_ =	task [dreg:s8], $0x5FFFF  }
0xad: {  	[dreg:$0x1] =	wrdreg $0xFFFFFFFF  }
0xae: {  	[dreg:$0x0] =	wrdreg $0x60  }
0xaf: {  	[dreg:$0x2] =	wrdreg s2  }
0xb0: {  	[dreg:$0x3] =	wrdreg s18  }
0xb1: {  	[dreg:$0x4] =	wrdreg s24  }
0xb2: {  	[dreg:$0x5] =	wrdreg $0x9  }
0xb3: {  	_ =	task.clear_ibuf [dreg:s8], $0x6FFFF;
	_ =	strace $0x90000046  }
0xb4: {  	s29 =	simm.s32 $0x9;
	_ =	strace $0x80000048  }
0xb5: {  	_ =	swait.ge [sflag:s29], $0x1  }
0xb6: {  	[sflag:s29] =	ssyncadd.s32 $0xFFFFFFFF  }
0xb7: {  	_ =	strace $0x90000048  }
0xb8: {  	_ =	sfence  }
0xb9: {  	s30 =	sld [smem:$0x0];
	_ =	sdelay $0x2  }
0xba: {  	s31 =	sshll.u32 s1, $0xD;
	s1 =	sshrl.u32 s1, $0x2  }
0xbb: {  	s3 =	sand.u32 $0x4000, s31;
	s1 =	sadd.s32 s1, s30  }
0xbc: {  	s0 =	sor.u32 s3, s0;
	s1 =	sshll.u32 s1, $0x11  }
0xbd: {  	s0 =	sor.u32 s1, s0  }
0xbe: {  	s0 =	sadd.s32 $0x8F2B, s0  }
0xbf: {  	[sflag:s0] =	ssyncadd.remote.s32 $0x1  }
0xc0: {  	_ =	sfence.sel $0xFFFF  }
0xc1: {  	[dreg:$0x0] =	wrdreg $0xFFFFFFFF;
	(pc) =	sbr.abs _section_cstart, $3  }
0xc2: {  	[dreg:$0x1] =	wrdreg $0xFFFFFFFF  }
0xc3: {  	_ =	task.clear_ibuf [dreg:s8], $0x2FFFF;
	_ =	strace $0x9FFFFFFF  }
0xc4: {  	(tm) =	ssettm $0x7FFFFFFF  }
0xc5: {  	_ =	shalt  }
tec
execute0_lowered:
.L_overlay_start_1:
0x0: {  	(tag) =	ssettag $0x1  }
0x1: {  	s1 =	rddreg [dreg:$0x0]  }
0x2: {  	s0 =	rddreg [dreg:$0x1]  }
0x3: {  	s2 =	rddreg [dreg:$0x2]  }
0x4: {  	s4 =	srdreg.scid;
	s10 =	stileid.u32  }
0x5: {  	s3 =	simm.s32 $0x0;
	s23 =	simm.s32 $0x3900;
	s24 =	simm.s32 $0x6D00  }
0x6: {  	s25 =	simm.s32 $0xA100;
	s26 =	simm.s32 $0xD500;
	s28 =	simm.s32 $0x10900  }
0x7: {  	s4 =	sand.u32 $0x1, s4;
	s5 =	smul.u32 $0x1C0000, s10;
	[smem:$0x7FF] =	sst s3  }
0x8: {  	s2 =	sadd.s32 $0x400, s2;
	_ =	strace $0x80000047;
	[dreg:$0xb] =	wrdreg s23  }
0x9: {  	s30 =	sshll.u32 s10, $0xB;
	s10 =	smul.u32 $0x38000, s10;
	[dreg:$0xc] =	wrdreg s24  }
0xa: {  	s6 =	smul.u32 $0xE0000, s4;
	s7 =	ssub.s32 $0x2, s4;
	[dreg:$0xd] =	wrdreg s25  }
0xb: {  	s9 =	sshll.u32 s4, $0xA;
	s4 =	smul.u32 $0x1C000, s4;
	[dreg:$0xe] =	wrdreg s26  }
0xc: {  	[dreg:$0xf] =	wrdreg s28;
	s23 =	simm.s32 $0x5;
	s24 =	simm.s32 $0x6  }
0xd: {  	s25 =	simm.s32 $0x7;
	s26 =	simm.s32 $0x8;
	s8 =	sshrl.u32 s7, $0x1  }
0xe: {  	s10 =	sadd.s32 s10, s2;
	s5 =	sadd.s32 s6, s5;
	s29 =	ssub.s32 s7, s8  }
0xf: {  	s7 =	sor.u32 s9, s30;
	s4 =	sadd.s32 s4, s10;
	s10 =	simm.s32 $0x5400  }
0x10: {  	s30 =	simm.s32 $0x17100;
	s9 =	simm.s32 $0xC;
	s31 =	sor.u32 $0x1A400, s5  }
0x11: {  	s11 =	sor.u32 $0x16C00, s5;
	s13 =	sor.u32 $0x13400, s5;
	[dreg:$0x5] =	wrdreg s4  }
0x12: {  	s17 =	sor.u32 $0xC400, s5;
	s19 =	sor.u32 $0x8C00, s5;
	s5 =	sor.u32 $0x5400, s5  }
0x13: {  	s0 =	sadd.s32 s0, s7;
	s22 =	smax.u32 s29, $0x1;
	s7 =	simm.s32 $0x64  }
0x14: {  	s29 =	simm.s32 $0x13D00;
	[dreg:$0x11] =	wrdreg s30;
	s8 =	sshrl.u32 s31, $0x3  }
0x15: {  	s12 =	sshrl.u32 s11, $0x3;
	s15 =	sshrl.u32 s13, $0x3;
	[dreg:$0x13] =	wrdreg s0  }
0x16: {  	s18 =	sshrl.u32 s17, $0x3;
	s5 =	sshrl.u32 s5, $0x3;
	[dreg:$0x14] =	wrdreg s22  }
0x17: {  	s17 =	simm.s32 $0x2;
	[dreg:$0x10] =	wrdreg s29;
	s31 =	simm.s32 $0x1A500  }
0x18: {  	s22 =	simm.s32 $0x18C00;
	s8 =	sadd.s32 s8, s2;
	[dreg:$0x12] =	wrdreg s31  }
0x19: {  	s11 =	simm.s32 $0x10;
	s14 =	sadd.s32 s12, s2;
	[dreg:$0x4] =	wrdreg s8  }
0x1a: {  	s13 =	simm.s32 $0x0;
	s16 =	sadd.s32 s15, s2;
	[dreg:$0x6] =	wrdreg s14  }
0x1b: {  	s4 =	sadd.s32 s18, s2;
	s21 =	sadd.s32 s5, s2;
	[dreg:$0x7] =	wrdreg s16  }
0x1c: {  	s12 =	simm.s32 $0x8800;
	s15 =	simm.s32 $0x1;
	[dreg:$0x8] =	wrdreg s4  }
0x1d: {  	s18 =	simm.s32 $0x12400;
	s8 =	sshrl.u32 s19, $0x3;
	[dreg:$0xa] =	wrdreg s21  }
0x1e: {  	s14 =	simm.s32 $0xBC00;
	s16 =	simm.s32 $0xF000;
	s19 =	simm.s32 $0x3  }
0x1f: {  	s21 =	simm.s32 $0x4;
	s20 =	sadd.s32 s8, s2;
	s8 =	simm.s32 $0x2000  }
0x20: {  	s2 =	simm.s32 $0xF;
	[dreg:$0x9] =	wrdreg s20;
	s20 =	simm.s32 $0x15800  }
.LBB2_1:
0x21: {  	s0 =	rddreg [dreg:$0x13];
	s30 =	simm.s32 $0x11  }
0x22: {  	[tilespmem:s3], [sflag:$0x11] =	stream.linear.gather [hbm4b:s0+s3], $0x2000, $0x38;
	[tilespmem:$0x1C000] =	vst v63  }
0x23: {  	_ =	swait.ge [sflag:s30], $0x2000  }
0x24: {  	[sflag:s30] =	ssyncset.done $0x0  }
0x25: {  	[sflag:s30] =	ssyncadd.s32 $0xFFFFE000  }
0x26: {  	[tilespmem:s8], [sflag:$0x1] =	stream.indirect.gather [hbm4b:s1+s7], $0x80, s3, s7, $0xb8;
	[tilespmem:$0x1C000] =	vst v63  }
0x27: {  	s31 =	simm.s32 $0x80  }
0x28: {  	[tilespmem:s10], [sflag:$0x2] =	stream.indirect.gather [hbm4b:s1+s7], $0x80, s31, s7, $0xb8;
	[tilespmem:$0x1C000] =	vst v63  }
0x29: {  	s4 =	simm.s32 $0x100  }
0x2a: {  	[tilespmem:s12], [sflag:$0x3] =	stream.indirect.gather [hbm4b:s1+s7], $0x80, s4, s7, $0xb8;
	[tilespmem:$0x1C000] =	vst v63  }
0x2b: {  	s5 =	simm.s32 $0x180  }
0x2c: {  	[tilespmem:s14], [sflag:$0x4] =	stream.indirect.gather [hbm4b:s1+s7], $0x80, s5, s7, $0xb8;
	[tilespmem:$0x1C000] =	vst v63  }
0x2d: {  	_ =	swait.ge [sflag:s15], $0x3200  }
0x2e: {  	p0 =	por $0x1, $0x1;
	[sflag:s15] =	ssyncset.done $0x0  }
0x2f: {  	s4 =	simm.s32 @!p0 $0xD;
	[sflag:s15] =	ssyncadd.s32 $0xFFFFCE00  }
0x30: {  	_ =	swait.ge @!p0 [sflag:s4], $0x1900  }
0x31: {  	[sflag:s4] =	ssyncset.done @!p0 $0x0  }
0x32: {  	[sflag:s4] =	ssyncadd.s32 @!p0 $0xFFFFE700  }
0x33: {  	_ =	swait.ge @!p0 [sflag:s4], $0x1900  }
0x34: {  	[sflag:s4] =	ssyncset.done @!p0 $0x0  }
0x35: {  	s6 =	simm.s32 $0x200;
	s5 =	rddreg [dreg:$0x5];
	[sflag:s4] =	ssyncadd.s32 @!p0 $0xFFFFE700  }
0x36: {  	[tilespmem:s16], [sflag:$0x5] =	stream.indirect.gather [hbm4b:s1+s7], $0x80, s6, s7, $0xb8;
	[tilespmem:$0x1C000] =	vst v63  }
0x37: {  	s4 =	sadd.s32 $0x0, s5  }
0x38: {  	[hbm4b:s4+s3] =	stream.linear.scatter [tilespmem:s8], [sflag:$0x9], $0x1900, $0x38;
	[tilespmem:$0x1C000] =	vst v63  }
0x39: {  	s29 =	rddreg [dreg:$0xb];
	s6 =	sadd.s32 $0x380, s4  }
0x3a: {  	[hbm4b:s6+s3] =	stream.linear.scatter [tilespmem:s29], [sflag:$0x9], $0x1900, $0x38;
	[tilespmem:$0x1C000] =	vst v63  }
0x3b: {  	_ =	swait.ge [sflag:s17], $0x3200  }
0x3c: {  	[sflag:s17] =	ssyncset.done $0x0  }
0x3d: {  	s5 =	simm.s32 @!p0 $0xE;
	[sflag:s17] =	ssyncadd.s32 $0xFFFFCE00  }
0x3e: {  	_ =	swait.ge @!p0 [sflag:s5], $0x1900  }
0x3f: {  	[sflag:s5] =	ssyncset.done @!p0 $0x0  }
0x40: {  	[sflag:s5] =	ssyncadd.s32 @!p0 $0xFFFFE700  }
0x41: {  	_ =	swait.ge @!p0 [sflag:s5], $0x1900  }
0x42: {  	[sflag:s5] =	ssyncset.done @!p0 $0x0  }
0x43: {  	s30 =	simm.s32 $0x280;
	[sflag:s5] =	ssyncadd.s32 @!p0 $0xFFFFE700  }
0x44: {  	[tilespmem:s18], [sflag:$0x6] =	stream.indirect.gather [hbm4b:s1+s7], $0x80, s30, s7, $0xb8;
	[tilespmem:$0x1C000] =	vst v63  }
0x45: {  	s0 =	sadd.s32 $0x700, s4;
	s31 =	rddreg [dreg:$0xa]  }
0x46: {  	[hbm4b:s0+s3] =	stream.linear.scatter [tilespmem:s10], [sflag:$0xA], $0x1900, $0x38;
	[tilespmem:$0x1C000] =	vst v63  }
0x47: {  	s28 =	rddreg [dreg:$0xc];
	s29 =	sadd.s32 $0x0, s31  }
0x48: {  	[hbm4b:s29+s3] =	stream.linear.scatter [tilespmem:s28], [sflag:$0xA], $0x1900, $0x38;
	[tilespmem:$0x1C000] =	vst v63  }
0x49: {  	_ =	swait.ge [sflag:s19], $0x3200  }
0x4a: {  	[sflag:s19] =	ssyncset.done $0x0  }
0x4b: {  	s5 =	simm.s32 @!p0 $0xF;
	[sflag:s19] =	ssyncadd.s32 $0xFFFFCE00  }
0x4c: {  	_ =	swait.ge @!p0 [sflag:s5], $0x1900  }
0x4d: {  	[sflag:s5] =	ssyncset.done @!p0 $0x0  }
0x4e: {  	[sflag:s5] =	ssyncadd.s32 @!p0 $0xFFFFE700  }
0x4f: {  	_ =	swait.ge @!p0 [sflag:s5], $0x1900  }
0x50: {  	[sflag:s5] =	ssyncset.done @!p0 $0x0  }
0x51: {  	s30 =	simm.s32 $0x300;
	[sflag:s5] =	ssyncadd.s32 @!p0 $0xFFFFE700  }
0x52: {  	[tilespmem:s20], [sflag:$0x7] =	stream.indirect.gather [hbm4b:s1+s7], $0x80, s30, s7, $0xb8;
	[tilespmem:$0x1C000] =	vst v63  }
0x53: {  	s0 =	sadd.s32 $0xE00, s4;
	s31 =	rddreg [dreg:$0x9]  }
0x54: {  	[hbm4b:s0+s3] =	stream.linear.scatter [tilespmem:s12], [sflag:$0xB], $0x1900, $0x38;
	[tilespmem:$0x1C000] =	vst v63  }
0x55: {  	s28 =	rddreg [dreg:$0xd];
	s6 =	sadd.s32 $0x0, s31  }
0x56: {  	[hbm4b:s6+s3] =	stream.linear.scatter [tilespmem:s28], [sflag:$0xB], $0x1900, $0x38;
	[tilespmem:$0x1C000] =	vst v63  }
0x57: {  	_ =	swait.ge [sflag:s21], $0x3200  }
0x58: {  	[sflag:s21] =	ssyncset.done $0x0  }
0x59: {  	s5 =	simm.s32 @!p0 $0x10;
	[sflag:s21] =	ssyncadd.s32 $0xFFFFCE00  }
0x5a: {  	_ =	swait.ge @!p0 [sflag:s5], $0x1900  }
0x5b: {  	[sflag:s5] =	ssyncset.done @!p0 $0x0  }
0x5c: {  	[sflag:s5] =	ssyncadd.s32 @!p0 $0xFFFFE700  }
0x5d: {  	_ =	swait.ge @!p0 [sflag:s5], $0x1900  }
0x5e: {  	[sflag:s5] =	ssyncset.done @!p0 $0x0  }
0x5f: {  	s29 =	simm.s32 $0x380;
	[sflag:s5] =	ssyncadd.s32 @!p0 $0xFFFFE700  }
0x60: {  	[tilespmem:s22], [sflag:$0x8] =	stream.indirect.gather [hbm4b:s1+s7], $0x80, s29, s7, $0xb8;
	[tilespmem:$0x1C000] =	vst v63  }
0x61: {  	s31 =	sadd.s32 $0x1500, s4;
	s30 =	rddreg [dreg:$0x8]  }
0x62: {  	[hbm4b:s31+s3] =	stream.linear.scatter [tilespmem:s14], [sflag:$0xC], $0x1900, $0x38;
	[tilespmem:$0x1C000] =	vst v63  }
0x63: {  	s28 =	rddreg [dreg:$0xe];
	s0 =	sadd.s32 $0x0, s30  }
0x64: {  	[hbm4b:s0+s3] =	stream.linear.scatter [tilespmem:s28], [sflag:$0xC], $0x1900, $0x38;
	[tilespmem:$0x1C000] =	vst v63  }
0x65: {  	_ =	swait.ge [sflag:s23], $0x3200  }
0x66: {  	p0 =	por $0x0, $0x0;
	[sflag:s23] =	ssyncset.done $0x0  }
0x67: {  	s5 =	simm.s32 @!p0 $0x9;
	[sflag:s23] =	ssyncadd.s32 $0xFFFFCE00  }
0x68: {  	_ =	swait.ge @!p0 [sflag:s5], $0x1900  }
0x69: {  	[sflag:s5] =	ssyncset.done @!p0 $0x0  }
0x6a: {  	[sflag:s5] =	ssyncadd.s32 @!p0 $0xFFFFE700  }
0x6b: {  	_ =	swait.ge @!p0 [sflag:s5], $0x1900  }
0x6c: {  	s6 =	simm.s32 @!p0 $0x2000;
	[sflag:s5] =	ssyncset.done @!p0 $0x0  }
0x6d: {  	s28 =	simm.s32 @!p0 $0x64;
	[sflag:s5] =	ssyncadd.s32 @!p0 $0xFFFFE700;
	s5 =	simm.s32 @!p0 $0x400  }
0x6e: {  	[tilespmem:s6], [sflag:$0x1] =	stream.indirect.gather @!p0 [hbm4b:s1+s28], $0x80, s5, s28, $0xb8;
	[tilespmem:$0x1C000] =	vst v63  }
0x6f: {  	s6 =	sadd.s32 $0x1C00, s4  }
0x70: {  	[hbm4b:s6+s3] =	stream.linear.scatter [tilespmem:s16], [sflag:$0xD], $0x1900, $0x38;
	[tilespmem:$0x1C000] =	vst v63  }
0x71: {  	s30 =	sadd.s32 $0x1F80, s4;
	s29 =	rddreg [dreg:$0xf]  }
0x72: {  	[hbm4b:s30+s3] =	stream.linear.scatter [tilespmem:s29], [sflag:$0xD], $0x1900, $0x38;
	[tilespmem:$0x1C000] =	vst v63  }
0x73: {  	_ =	swait.ge [sflag:s24], $0x3200  }
0x74: {  	[sflag:s24] =	ssyncset.done $0x0  }
0x75: {  	s5 =	simm.s32 @!p0 $0xA;
	[sflag:s24] =	ssyncadd.s32 $0xFFFFCE00  }
0x76: {  	_ =	swait.ge @!p0 [sflag:s5], $0x1900  }
0x77: {  	[sflag:s5] =	ssyncset.done @!p0 $0x0  }
0x78: {  	[sflag:s5] =	ssyncadd.s32 @!p0 $0xFFFFE700  }
0x79: {  	_ =	swait.ge @!p0 [sflag:s5], $0x1900  }
0x7a: {  	[sflag:s5] =	ssyncset.done @!p0 $0x0  }
0x7b: {  	s6 =	simm.s32 @!p0 $0x5400;
	[sflag:s5] =	ssyncadd.s32 @!p0 $0xFFFFE700;
	s5 =	simm.s32 @!p0 $0x480  }
0x7c: {  	[tilespmem:s6], [sflag:$0x2] =	stream.indirect.gather @!p0 [hbm4b:s1+s28], $0x80, s5, s28, $0xb8;
	[tilespmem:$0x1C000] =	vst v63  }
0x7d: {  	s31 =	sadd.s32 $0x2300, s4;
	s29 =	rddreg [dreg:$0x7]  }
0x7e: {  	[hbm4b:s31+s3] =	stream.linear.scatter [tilespmem:s18], [sflag:$0xE], $0x1900, $0x38;
	[tilespmem:$0x1C000] =	vst v63  }
0x7f: {  	s0 =	rddreg [dreg:$0x10];
	s29 =	sadd.s32 $0x0, s29  }
0x80: {  	[hbm4b:s29+s3] =	stream.linear.scatter [tilespmem:s0], [sflag:$0xE], $0x1900, $0x38;
	[tilespmem:$0x1C000] =	vst v63  }
0x81: {  	_ =	swait.ge [sflag:s25], $0x3200  }
0x82: {  	[sflag:s25] =	ssyncset.done $0x0  }
0x83: {  	s5 =	simm.s32 @!p0 $0xB;
	[sflag:s25] =	ssyncadd.s32 $0xFFFFCE00  }
0x84: {  	_ =	swait.ge @!p0 [sflag:s5], $0x1900  }
0x85: {  	[sflag:s5] =	ssyncset.done @!p0 $0x0  }
0x86: {  	[sflag:s5] =	ssyncadd.s32 @!p0 $0xFFFFE700  }
0x87: {  	_ =	swait.ge @!p0 [sflag:s5], $0x1900  }
0x88: {  	[sflag:s5] =	ssyncset.done @!p0 $0x0  }
0x89: {  	s6 =	simm.s32 @!p0 $0x8800;
	[sflag:s5] =	ssyncadd.s32 @!p0 $0xFFFFE700;
	s5 =	simm.s32 @!p0 $0x500  }
0x8a: {  	[tilespmem:s6], [sflag:$0x3] =	stream.indirect.gather @!p0 [hbm4b:s1+s28], $0x80, s5, s28, $0xb8;
	[tilespmem:$0x1C000] =	vst v63  }
0x8b: {  	s31 =	sadd.s32 $0x2A00, s4;
	s30 =	rddreg [dreg:$0x6]  }
0x8c: {  	[hbm4b:s31+s3] =	stream.linear.scatter [tilespmem:s20], [sflag:$0xF], $0x1900, $0x38;
	[tilespmem:$0x1C000] =	vst v63  }
0x8d: {  	s0 =	rddreg [dreg:$0x11];
	s30 =	sadd.s32 $0x0, s30  }
0x8e: {  	[hbm4b:s30+s3] =	stream.linear.scatter [tilespmem:s0], [sflag:$0xF], $0x1900, $0x38;
	[tilespmem:$0x1C000] =	vst v63  }
0x8f: {  	_ =	swait.ge [sflag:s26], $0x3200  }
0x90: {  	[sflag:s26] =	ssyncset.done $0x0  }
0x91: {  	s5 =	simm.s32 @!p0 $0xC;
	[sflag:s26] =	ssyncadd.s32 $0xFFFFCE00  }
0x92: {  	_ =	swait.ge @!p0 [sflag:s5], $0x1900  }
0x93: {  	[sflag:s5] =	ssyncset.done @!p0 $0x0  }
0x94: {  	[sflag:s5] =	ssyncadd.s32 @!p0 $0xFFFFE700  }
0x95: {  	_ =	swait.ge @!p0 [sflag:s5], $0x1900  }
0x96: {  	s6 =	simm.s32 $0x580;
	[sflag:s5] =	ssyncset.done @!p0 $0x0  }
0x97: {  	s31 =	rddreg [dreg:$0x4];
	[sflag:s5] =	ssyncadd.s32 @!p0 $0xFFFFE700;
	s5 =	simm.s32 @!p0 $0xBC00  }
0x98: {  	[tilespmem:s5], [sflag:$0x4] =	stream.indirect.gather @!p0 [hbm4b:s1+s28], $0x80, s6, s28, $0xb8;
	[tilespmem:$0x1C000] =	vst v63  }
0x99: {  	s4 =	sadd.s32 $0x3100, s4;
	s28 =	rddreg [dreg:$0x12]  }
0x9a: {  	[hbm4b:s4+s3] =	stream.linear.scatter [tilespmem:s22], [sflag:$0x10], $0x1900, $0x38;
	[tilespmem:$0x1C000] =	vst v63  }
0x9b: {  	s6 =	sadd.s32 $0x0, s31;
	s5 =	simm.s32 $0x980;
	s4 =	simm.s32 $0x3800  }
.LBB2_2:
0x9c: {  	[hbm4b:s6+s3] =	stream.linear.scatter [tilespmem:s28], [sflag:$0x10], $0x1900, $0x38;
	[tilespmem:$0x1C000] =	vst v63  }
0x9d: {  	s6 =	smov.u32 s4;
	_ =	swait.ge [sflag:s15], $0x3200  }
0x9e: {  	p1 =	seq.s32 s6, $0x0;
	[sflag:s15] =	ssyncset.done $0x0  }
0x9f: {  	s28 =	simm.s32 @!p1 $0xD;
	[sflag:s15] =	ssyncadd.s32 $0xFFFFCE00  }
0xa0: {  	_ =	swait.ge @!p1 [sflag:s28], $0x1900  }
0xa1: {  	[sflag:s28] =	ssyncset.done @!p1 $0x0  }
0xa2: {  	[sflag:s28] =	ssyncadd.s32 @!p1 $0xFFFFE700  }
0xa3: {  	_ =	swait.ge @!p1 [sflag:s28], $0x1900  }
0xa4: {  	[sflag:s28] =	ssyncset.done @!p1 $0x0  }
0xa5: {  	s29 =	rddreg [dreg:$0x5];
	[sflag:s28] =	ssyncadd.s32 @!p1 $0xFFFFE700;
	s28 =	sadd.s32 $0xFFFFFC80, s5  }
0xa6: {  	[tilespmem:s16], [sflag:$0x5] =	stream.indirect.gather [hbm4b:s1+s7], $0x80, s28, s7, $0xb8;
	[tilespmem:$0x1C000] =	vst v63  }
0xa7: {  	s28 =	sadd.s32 s6, s29  }
0xa8: {  	[hbm4b:s28+s3] =	stream.linear.scatter [tilespmem:s8], [sflag:$0x9], $0x1900, $0x38;
	[tilespmem:$0x1C000] =	vst v63  }
0xa9: {  	s0 =	rddreg [dreg:$0xb];
	s30 =	sadd.s32 $0x380, s28  }
0xaa: {  	[hbm4b:s30+s3] =	stream.linear.scatter [tilespmem:s0], [sflag:$0x9], $0x1900, $0x38;
	[tilespmem:$0x1C000] =	vst v63  }
0xab: {  	_ =	swait.ge [sflag:s17], $0x3200  }
0xac: {  	[sflag:s17] =	ssyncset.done $0x0  }
0xad: {  	s29 =	simm.s32 @!p1 $0xE;
	[sflag:s17] =	ssyncadd.s32 $0xFFFFCE00  }
0xae: {  	_ =	swait.ge @!p1 [sflag:s29], $0x1900  }
0xaf: {  	[sflag:s29] =	ssyncset.done @!p1 $0x0  }
0xb0: {  	[sflag:s29] =	ssyncadd.s32 @!p1 $0xFFFFE700  }
0xb1: {  	_ =	swait.ge @!p1 [sflag:s29], $0x1900  }
0xb2: {  	[sflag:s29] =	ssyncset.done @!p1 $0x0  }
0xb3: {  	s31 =	sadd.s32 $0xFFFFFD00, s5;
	[sflag:s29] =	ssyncadd.s32 @!p1 $0xFFFFE700  }
0xb4: {  	[tilespmem:s18], [sflag:$0x6] =	stream.indirect.gather [hbm4b:s1+s7], $0x80, s31, s7, $0xb8;
	[tilespmem:$0x1C000] =	vst v63  }
0xb5: {  	s0 =	sadd.s32 $0x700, s28;
	s30 =	rddreg [dreg:$0xa]  }
0xb6: {  	[hbm4b:s0+s3] =	stream.linear.scatter [tilespmem:s10], [sflag:$0xA], $0x1900, $0x38;
	[tilespmem:$0x1C000] =	vst v63  }
0xb7: {  	s30 =	sadd.s32 s6, s30;
	s31 =	rddreg [dreg:$0xc]  }
0xb8: {  	[hbm4b:s30+s3] =	stream.linear.scatter [tilespmem:s31], [sflag:$0xA], $0x1900, $0x38;
	[tilespmem:$0x1C000] =	vst v63  }
0xb9: {  	_ =	swait.ge [sflag:s19], $0x3200  }
0xba: {  	[sflag:s19] =	ssyncset.done $0x0  }
0xbb: {  	s29 =	simm.s32 @!p1 $0xF;
	[sflag:s19] =	ssyncadd.s32 $0xFFFFCE00  }
0xbc: {  	_ =	swait.ge @!p1 [sflag:s29], $0x1900  }
0xbd: {  	[sflag:s29] =	ssyncset.done @!p1 $0x0  }
0xbe: {  	[sflag:s29] =	ssyncadd.s32 @!p1 $0xFFFFE700  }
0xbf: {  	_ =	swait.ge @!p1 [sflag:s29], $0x1900  }
0xc0: {  	[sflag:s29] =	ssyncset.done @!p1 $0x0  }
0xc1: {  	s31 =	sadd.s32 $0xFFFFFD80, s5;
	[sflag:s29] =	ssyncadd.s32 @!p1 $0xFFFFE700  }
0xc2: {  	[tilespmem:s20], [sflag:$0x7] =	stream.indirect.gather [hbm4b:s1+s7], $0x80, s31, s7, $0xb8;
	[tilespmem:$0x1C000] =	vst v63  }
0xc3: {  	s30 =	rddreg [dreg:$0x9];
	s29 =	sadd.s32 $0xE00, s28  }
0xc4: {  	[hbm4b:s29+s3] =	stream.linear.scatter [tilespmem:s12], [sflag:$0xB], $0x1900, $0x38;
	[tilespmem:$0x1C000] =	vst v63  }
0xc5: {  	s0 =	rddreg [dreg:$0xd];
	s30 =	sadd.s32 s6, s30  }
0xc6: {  	[hbm4b:s30+s3] =	stream.linear.scatter [tilespmem:s0], [sflag:$0xB], $0x1900, $0x38;
	[tilespmem:$0x1C000] =	vst v63  }
0xc7: {  	_ =	swait.ge [sflag:s21], $0x3200  }
0xc8: {  	[sflag:s21] =	ssyncset.done $0x0  }
0xc9: {  	s29 =	simm.s32 @!p1 $0x10;
	[sflag:s21] =	ssyncadd.s32 $0xFFFFCE00  }
0xca: {  	_ =	swait.ge @!p1 [sflag:s29], $0x1900  }
0xcb: {  	[sflag:s29] =	ssyncset.done @!p1 $0x0  }
0xcc: {  	[sflag:s29] =	ssyncadd.s32 @!p1 $0xFFFFE700  }
0xcd: {  	_ =	swait.ge @!p1 [sflag:s29], $0x1900  }
0xce: {  	[sflag:s29] =	ssyncset.done @!p1 $0x0  }
0xcf: {  	s31 =	sadd.s32 $0xFFFFFE00, s5;
	[sflag:s29] =	ssyncadd.s32 @!p1 $0xFFFFE700  }
0xd0: {  	[tilespmem:s22], [sflag:$0x8] =	stream.indirect.gather [hbm4b:s1+s7], $0x80, s31, s7, $0xb8;
	[tilespmem:$0x1C000] =	vst v63  }
0xd1: {  	s30 =	rddreg [dreg:$0x8];
	s29 =	sadd.s32 $0x1500, s28  }
0xd2: {  	[hbm4b:s29+s3] =	stream.linear.scatter [tilespmem:s14], [sflag:$0xC], $0x1900, $0x38;
	[tilespmem:$0x1C000] =	vst v63  }
0xd3: {  	s0 =	rddreg [dreg:$0xe];
	s30 =	sadd.s32 s6, s30  }
0xd4: {  	[hbm4b:s30+s3] =	stream.linear.scatter [tilespmem:s0], [sflag:$0xC], $0x1900, $0x38;
	[tilespmem:$0x1C000] =	vst v63  }
0xd5: {  	_ =	swait.ge [sflag:s23], $0x3200  }
0xd6: {  	p1 =	seq.s32 s6, $0x18800;
	[sflag:s23] =	ssyncset.done $0x0  }
0xd7: {  	s29 =	simm.s32 @!p1 $0x9;
	[sflag:s23] =	ssyncadd.s32 $0xFFFFCE00  }
0xd8: {  	_ =	swait.ge @!p1 [sflag:s29], $0x1900  }
0xd9: {  	[sflag:s29] =	ssyncset.done @!p1 $0x0  }
0xda: {  	[sflag:s29] =	ssyncadd.s32 @!p1 $0xFFFFE700  }
0xdb: {  	_ =	swait.ge @!p1 [sflag:s29], $0x1900  }
0xdc: {  	s31 =	sadd.s32 @!p1 $0xFFFFFE80, s5;
	[sflag:s29] =	ssyncset.done @!p1 $0x0  }
0xdd: {  	s30 =	simm.s32 @!p1 $0x2000;
	[sflag:s29] =	ssyncadd.s32 @!p1 $0xFFFFE700;
	s29 =	simm.s32 @!p1 $0x64  }
0xde: {  	[tilespmem:s30], [sflag:$0x1] =	stream.indirect.gather @!p1 [hbm4b:s1+s29], $0x80, s31, s29, $0xb8;
	[tilespmem:$0x1C000] =	vst v63  }
0xdf: {  	s0 =	sadd.s32 $0x1C00, s28  }
0xe0: {  	[hbm4b:s0+s3] =	stream.linear.scatter [tilespmem:s16], [sflag:$0xD], $0x1900, $0x38;
	[tilespmem:$0x1C000] =	vst v63  }
0xe1: {  	s31 =	rddreg [dreg:$0xf];
	s0 =	sadd.s32 $0x1F80, s28  }
0xe2: {  	[hbm4b:s0+s3] =	stream.linear.scatter [tilespmem:s31], [sflag:$0xD], $0x1900, $0x38;
	[tilespmem:$0x1C000] =	vst v63  }
0xe3: {  	_ =	swait.ge [sflag:s24], $0x3200  }
0xe4: {  	[sflag:s24] =	ssyncset.done $0x0  }
0xe5: {  	s30 =	simm.s32 @!p1 $0xA;
	[sflag:s24] =	ssyncadd.s32 $0xFFFFCE00  }
0xe6: {  	_ =	swait.ge @!p1 [sflag:s30], $0x1900  }
0xe7: {  	[sflag:s30] =	ssyncset.done @!p1 $0x0  }
0xe8: {  	[sflag:s30] =	ssyncadd.s32 @!p1 $0xFFFFE700  }
0xe9: {  	_ =	swait.ge @!p1 [sflag:s30], $0x1900  }
0xea: {  	[sflag:s30] =	ssyncset.done @!p1 $0x0  }
0xeb: {  	s31 =	simm.s32 @!p1 $0x5400;
	[sflag:s30] =	ssyncadd.s32 @!p1 $0xFFFFE700;
	s30 =	sadd.s32 @!p1 $0xFFFFFF00, s5  }
0xec: {  	[tilespmem:s31], [sflag:$0x2] =	stream.indirect.gather @!p1 [hbm4b:s1+s29], $0x80, s30, s29, $0xb8;
	[tilespmem:$0x1C000] =	vst v63  }
0xed: {  	s0 =	rddreg [dreg:$0x7];
	s30 =	sadd.s32 $0x2300, s28  }
0xee: {  	[hbm4b:s30+s3] =	stream.linear.scatter [tilespmem:s18], [sflag:$0xE], $0x1900, $0x38;
	[tilespmem:$0x1C000] =	vst v63  }
0xef: {  	s0 =	sadd.s32 s6, s0;
	s31 =	rddreg [dreg:$0x10]  }
0xf0: {  	[hbm4b:s0+s3] =	stream.linear.scatter [tilespmem:s31], [sflag:$0xE], $0x1900, $0x38;
	[tilespmem:$0x1C000] =	vst v63  }
0xf1: {  	_ =	swait.ge [sflag:s25], $0x3200  }
0xf2: {  	[sflag:s25] =	ssyncset.done $0x0  }
0xf3: {  	s0 =	simm.s32 @!p1 $0xB;
	[sflag:s25] =	ssyncadd.s32 $0xFFFFCE00  }
0xf4: {  	_ =	swait.ge @!p1 [sflag:s0], $0x1900  }
0xf5: {  	[sflag:s0] =	ssyncset.done @!p1 $0x0  }
0xf6: {  	[sflag:s0] =	ssyncadd.s32 @!p1 $0xFFFFE700  }
0xf7: {  	_ =	swait.ge @!p1 [sflag:s0], $0x1900  }
0xf8: {  	[sflag:s0] =	ssyncset.done @!p1 $0x0  }
0xf9: {  	s30 =	simm.s32 @!p1 $0x8800;
	[sflag:s0] =	ssyncadd.s32 @!p1 $0xFFFFE700;
	s0 =	sadd.s32 @!p1 $0xFFFFFF80, s5  }
0xfa: {  	[tilespmem:s30], [sflag:$0x3] =	stream.indirect.gather @!p1 [hbm4b:s1+s29], $0x80, s0, s29, $0xb8;
	[tilespmem:$0x1C000] =	vst v63  }
0xfb: {  	s31 =	rddreg [dreg:$0x6];
	s0 =	sadd.s32 $0x2A00, s28  }
0xfc: {  	[hbm4b:s0+s3] =	stream.linear.scatter [tilespmem:s20], [sflag:$0xF], $0x1900, $0x38;
	[tilespmem:$0x1C000] =	vst v63  }
0xfd: {  	s31 =	sadd.s32 s6, s31;
	s30 =	rddreg [dreg:$0x11]  }
0xfe: {  	[hbm4b:s31+s3] =	stream.linear.scatter [tilespmem:s30], [sflag:$0xF], $0x1900, $0x38;
	[tilespmem:$0x1C000] =	vst v63  }
0xff: {  	_ =	swait.ge [sflag:s26], $0x3200  }
0x100: {  	[sflag:s26] =	ssyncset.done $0x0  }
0x101: {  	s0 =	simm.s32 @!p1 $0xC;
	[sflag:s26] =	ssyncadd.s32 $0xFFFFCE00  }
0x102: {  	_ =	swait.ge @!p1 [sflag:s0], $0x1900  }
0x103: {  	[sflag:s0] =	ssyncset.done @!p1 $0x0  }
0x104: {  	s4 =	sadd.s32 $0x3800, s4;
	[sflag:s0] =	ssyncadd.s32 @!p1 $0xFFFFE700  }
0x105: {  	p0 =	sne.s32 s4, $0x1C000;
	_ =	swait.ge @!p1 [sflag:s0], $0x1900  }
.Ltmp0:
0x106: {  	s31 =	sadd.s32 $0x3100, s28;
	[sflag:s0] =	ssyncset.done @!p1 $0x0;
	(pc) =	sbr.rel @p0 .LBB2_2-.Ltmp0, $4  }
0x107: {  	s30 =	rddreg [dreg:$0x4];
	[sflag:s0] =	ssyncadd.s32 @!p1 $0xFFFFE700;
	s0 =	simm.s32 @!p1 $0xBC00  }
0x108: {  	[tilespmem:s0], [sflag:$0x4] =	stream.indirect.gather @!p1 [hbm4b:s1+s29], $0x80, s5, s29, $0xb8;
	[tilespmem:$0x1C000] =	vst v63  }
0x109: {  	s28 =	rddreg [dreg:$0x12];
	s6 =	sadd.s32 s6, s30;
	s5 =	sadd.s32 $0x400, s5  }
0x10a: {  	[hbm4b:s31+s3] =	stream.linear.scatter [tilespmem:s22], [sflag:$0x10], $0x1900, $0x38;
	[tilespmem:$0x1C000] =	vst v63  }
0x10b: {  	[hbm4b:s6+s3] =	stream.linear.scatter [tilespmem:s28], [sflag:$0x10], $0x1900, $0x38;
	[tilespmem:$0x1C000] =	vst v63  }
0x10c: {  	s0 =	simm.s32 $0x9  }
0x10d: {  	_ =	swait.ge [sflag:s0], $0x1900  }
0x10e: {  	[sflag:s0] =	ssyncset.done $0x0  }
0x10f: {  	[sflag:s0] =	ssyncadd.s32 $0xFFFFE700  }
0x110: {  	_ =	swait.ge [sflag:s0], $0x1900  }
0x111: {  	[sflag:s0] =	ssyncset.done $0x0  }
0x112: {  	s6 =	simm.s32 $0xD;
	[sflag:s0] =	ssyncadd.s32 $0xFFFFE700  }
0x113: {  	_ =	swait.ge [sflag:s6], $0x1900  }
0x114: {  	[sflag:s6] =	ssyncset.done $0x0  }
0x115: {  	[sflag:s6] =	ssyncadd.s32 $0xFFFFE700  }
0x116: {  	_ =	swait.ge [sflag:s6], $0x1900  }
0x117: {  	[sflag:s6] =	ssyncset.done $0x0  }
0x118: {  	s28 =	simm.s32 $0xA;
	[sflag:s6] =	ssyncadd.s32 $0xFFFFE700  }
0x119: {  	_ =	swait.ge [sflag:s28], $0x1900  }
0x11a: {  	[sflag:s28] =	ssyncset.done $0x0  }
0x11b: {  	[sflag:s28] =	ssyncadd.s32 $0xFFFFE700  }
0x11c: {  	_ =	swait.ge [sflag:s28], $0x1900  }
0x11d: {  	[sflag:s28] =	ssyncset.done $0x0  }
0x11e: {  	s29 =	simm.s32 $0xE;
	[sflag:s28] =	ssyncadd.s32 $0xFFFFE700  }
0x11f: {  	_ =	swait.ge [sflag:s29], $0x1900  }
0x120: {  	[sflag:s29] =	ssyncset.done $0x0  }
0x121: {  	[sflag:s29] =	ssyncadd.s32 $0xFFFFE700  }
0x122: {  	_ =	swait.ge [sflag:s29], $0x1900  }
0x123: {  	[sflag:s29] =	ssyncset.done $0x0  }
0x124: {  	s30 =	simm.s32 $0xB;
	[sflag:s29] =	ssyncadd.s32 $0xFFFFE700  }
0x125: {  	_ =	swait.ge [sflag:s30], $0x1900  }
0x126: {  	[sflag:s30] =	ssyncset.done $0x0  }
0x127: {  	[sflag:s30] =	ssyncadd.s32 $0xFFFFE700  }
0x128: {  	_ =	swait.ge [sflag:s30], $0x1900  }
0x129: {  	[sflag:s30] =	ssyncset.done $0x0  }
0x12a: {  	[sflag:s30] =	ssyncadd.s32 $0xFFFFE700  }
0x12b: {  	_ =	swait.ge [sflag:s2], $0x1900  }
0x12c: {  	[sflag:s2] =	ssyncset.done $0x0  }
0x12d: {  	[sflag:s2] =	ssyncadd.s32 $0xFFFFE700  }
0x12e: {  	_ =	swait.ge [sflag:s2], $0x1900  }
0x12f: {  	[sflag:s2] =	ssyncset.done $0x0  }
0x130: {  	[sflag:s2] =	ssyncadd.s32 $0xFFFFE700  }
0x131: {  	_ =	swait.ge [sflag:s9], $0x1900  }
0x132: {  	[sflag:s9] =	ssyncset.done $0x0  }
0x133: {  	[sflag:s9] =	ssyncadd.s32 $0xFFFFE700  }
0x134: {  	_ =	swait.ge [sflag:s9], $0x1900  }
0x135: {  	[sflag:s9] =	ssyncset.done $0x0  }
0x136: {  	[sflag:s9] =	ssyncadd.s32 $0xFFFFE700  }
0x137: {  	_ =	swait.ge [sflag:s11], $0x1900  }
0x138: {  	[sflag:s11] =	ssyncset.done $0x0  }
0x139: {  	[sflag:s11] =	ssyncadd.s32 $0xFFFFE700  }
0x13a: {  	_ =	swait.ge [sflag:s11], $0x1900  }
0x13b: {  	s13 =	sadd.s32 $0x1, s13;
	s31 =	rddreg [dreg:$0x14]  }
0x13c: {  	p0 =	sne.s32 s13, s31  }
.Ltmp1:
0x13d: {  	_ = 	snop;
	(pc) =	sbr.rel @p0 .LBB2_1-.Ltmp1, $3  }
0x13e: {  	_ =	sdelay $0x1  }
0x13f: {  	[sflag:s11] =	ssyncset.done $0x0  }
0x140: {  	[sflag:s11] =	ssyncadd.s32 $0xFFFFE700  }
0x141: {  	_ =	sfence.sel $0x180000  }
0x142: {  	[bflag:$0x0] =	sbarrier.arrive $0xFFFF  }
0x143: {  	_ =	strace $0x90000047  }
0x144: {  	s0 =	stileid.u32;
	[bflag:$0x2] =	sbarrier.arrive $0xFFFF  }
0x145: {  	p0 =	sne.s32 s0, $0x0;
	s0 =	rddreg [dreg:$0x3]  }
0x146: {  	s0 =	sadd.s32 @!p0 $0x100000, s0  }
0x147: {  	[sflag:s0] =	ssyncadd.tile.s32 @!p0 $0x1;
	_ =	shalt  }
.Lfunc_end2:
_tile_overlayer_lowered:
.L_overlay_start_2:
0x148: {  	(tag) =	ssettag $0x2  }
0x149: {  	s0 =	rddreg [dreg:$0x0];
	s2 =	stileid.u32  }
0x14a: {  	s1 =	rddreg [dreg:$0x1];
	p0 =	sne.s32 s2, $0x0  }
0x14b: {  	s3 =	rddreg [dreg:$0x2];
	[bflag:$0x3] =	sbarrier.arrive $0xFFFF;
	s2 =	simm.s32 @!p0 $0x1C11  }
0x14c: {  	[timem:s3], [sflag:s2] =	dma.local @!p0 [hbm:s0], s1  }
0x14d: {  	s0 =	simm.s32 @!p0 $0x11  }
0x14e: {  	_ =	swait.ge @!p0 [sflag:s0], s1  }
0x14f: {  	s1 =	ssub.s32 @!p0 $0x0, s1;
	[sflag:s0] =	ssyncset.done @!p0 $0x0  }
0x150: {  	[sflag:s0] =	ssyncadd.s32 @!p0 s1  }
0x151: {  	[bflag:$0x3] =	sbarrier.arrive $0xFFFF  }
0x152: {  	_ =	shalt  }

</sc_bundles>
